<compile_context>
chip_gen: v7x
topology: tpu7x:2x2x1
jax: 0.10.2.dev20260603
libtpu: 0.0.44.dev20260713+nightly
codegen_flags: <defaults>
</compile_context>

<pallas_src>
import functools

import jax
import jax.numpy as jnp
from jax import lax
from jax.experimental import pallas as pl
from jax.experimental.pallas import tpu as pltpu
from jax.experimental.pallas import tpu_sc as plsc

N = 10000
NP = 10240
E = 320000
CH = 128
NW = 32
NC = E // CH
CPW = 78
RPT = NP // 16
NB = 2
NGRP = CPW // NB

_mesh = plsc.VectorSubcoreMesh(core_axis_name="c", subcore_axis_name="s")


def _fill(ref, value):
    v = jnp.full((16,), value, jnp.float32)

    def body(r, carry):
        for j in range(8):
            ref[r, pl.ds(j * 16, 16)] = v
        return carry

    lax.fori_loop(0, CH, body, 0)



@functools.partial(
    pl.kernel,
    out_type=jax.ShapeDtypeStruct((2 * NP, 128), jnp.float32),
    mesh=_mesh,
    scratch_types=[
        pltpu.VMEM((CH, 128), jnp.float32),
        [pltpu.VMEM((CH,), jnp.int32) for _ in range(NB)],
        [pltpu.SemaphoreType.DMA for _ in range(NB)],
        pltpu.VMEM_SHARED((NP, 128), jnp.float32),
    ],
)
def _sc_degree(dst_hbm, out_hbm, ones_v, dst2, sem_d, acc_sh):
    cid = lax.axis_index("c")
    sid = lax.axis_index("s")
    wid = sid * 2 + cid
    ebase = (wid * CPW + jnp.minimum(wid, 4)) * CH
    _fill(ones_v, 0.0)
    for j in range(RPT // CH):
        pltpu.sync_copy(ones_v, acc_sh.at[pl.ds(sid * RPT + j * CH, CH)])
    _fill(ones_v, 1.0)
    plsc.subcore_barrier()

    for b in range(NB):
        pltpu.async_copy(dst_hbm.at[pl.ds(ebase + b * CH, CH)], dst2[b], sem_d[b])

    def outer(g, carry):
        for b in range(NB):
            t = g * NB + b
            pltpu.make_async_copy(dst_hbm.at[pl.ds(0, CH)], dst2[b], sem_d[b]).wait()
            pltpu.sync_copy(ones_v, acc_sh.at[dst2[b]], add=True)

            @pl.when(g < NGRP - 1)
            def _():
                pltpu.async_copy(
                    dst_hbm.at[pl.ds(ebase + (t + NB) * CH, CH)], dst2[b], sem_d[b])
        return carry

    lax.fori_loop(0, NGRP, outer, 0)

    @pl.when(wid < NC - NW * CPW)
    def _():
        pltpu.sync_copy(dst_hbm.at[pl.ds(ebase + CPW * CH, CH)], dst2[0])
        pltpu.sync_copy(ones_v, acc_sh.at[dst2[0]], add=True)

    plsc.subcore_barrier()
    pltpu.sync_copy(
        acc_sh.at[pl.ds(sid * RPT, RPT)],
        out_hbm.at[pl.ds(cid * NP + sid * RPT, RPT)],
    )



@functools.partial(
    pl.kernel,
    out_type=jax.ShapeDtypeStruct((2 * NP, 128), jnp.float32),
    mesh=_mesh,
    scratch_types=[
        pltpu.VMEM((CPW * CH,), jnp.int32),
        [pltpu.VMEM((CH,), jnp.int32) for _ in range(NB)],
        [pltpu.VMEM((CH, 128), jnp.float32) for _ in range(NB)],
        [pltpu.SemaphoreType.DMA for _ in range(NB)],
        pltpu.SemaphoreType.DMA,
        pltpu.VMEM_SHARED((NP, 128), jnp.float32),
    ],
)
def _sc_scatter(z_hbm, src_hbm, dst_hbm, out_hbm,
                src_all, dst2, rows2, sem_d, sem_g, acc_sh):
    cid = lax.axis_index("c")
    sid = lax.axis_index("s")
    wid = sid * 2 + cid
    ebase = (wid * CPW + jnp.minimum(wid, 4)) * CH
    _fill(rows2[0], 0.0)
    for j in range(RPT // CH):
        pltpu.sync_copy(rows2[0], acc_sh.at[pl.ds(sid * RPT + j * CH, CH)])
    pltpu.sync_copy(src_hbm.at[pl.ds(ebase, CPW * CH)], src_all)
    plsc.subcore_barrier()

    for b in range(NB):
        pltpu.async_copy(dst_hbm.at[pl.ds(ebase + b * CH, CH)], dst2[b], sem_d[b])
        pltpu.async_copy(z_hbm.at[src_all.at[pl.ds(b * CH, CH)]], rows2[b], sem_g)

    def outer(g, carry):
        for b in range(NB):
            t = g * NB + b
            pltpu.make_async_copy(dst_hbm.at[pl.ds(0, CH)], dst2[b], sem_d[b]).wait()
            pltpu.make_async_copy(z_hbm.at[pl.ds(0, CH)], rows2[b], sem_g).wait()
            pltpu.sync_copy(rows2[b], acc_sh.at[dst2[b]], add=True)

            @pl.when(g < NGRP - 1)
            def _():
                pltpu.async_copy(
                    dst_hbm.at[pl.ds(ebase + (t + NB) * CH, CH)], dst2[b], sem_d[b])
                pltpu.async_copy(
                    z_hbm.at[src_all.at[pl.ds((t + NB) * CH, CH)]], rows2[b], sem_g)
        return carry

    lax.fori_loop(0, NGRP, outer, 0)

    @pl.when(wid < NC - NW * CPW)
    def _():
        pltpu.sync_copy(dst_hbm.at[pl.ds(ebase + CPW * CH, CH)], dst2[0])
        pltpu.sync_copy(src_hbm.at[pl.ds(ebase + CPW * CH, CH)], dst2[1])
        pltpu.async_copy(z_hbm.at[dst2[1]], rows2[0], sem_g).wait()
        pltpu.sync_copy(rows2[0], acc_sh.at[dst2[0]], add=True)

    plsc.subcore_barrier()
    pltpu.sync_copy(
        acc_sh.at[pl.ds(sid * RPT, RPT)],
        out_hbm.at[pl.ds(cid * NP + sid * RPT, RPT)],
    )



BR = 256
OFF = NP // BR


def _tc_a_body(x_ref, w_ref, da_ref, db_ref, o_ref, dis_ref):
    deg = da_ref[:, 0:1] + db_ref[:, 0:1] + 1.0
    dis = lax.rsqrt(deg)
    xw = jnp.dot(x_ref[...], w_ref[...], preferred_element_type=jnp.float32,
                 precision=lax.Precision.HIGHEST)
    o_ref[...] = xw * dis
    dis_ref[...] = dis[:, 0]


def _tc_b_body(aa_ref, ab_ref, z_ref, dis_ref, b_ref, w_ref, o_ref):
    i = pl.program_id(0)
    dis = dis_ref[...][:, None]
    s = (aa_ref[...] + ab_ref[...] + z_ref[...]) * dis + b_ref[...]
    h = jnp.maximum(s, 0.0)
    row = lax.broadcasted_iota(jnp.int32, (BR, 1), 0) + i * BR
    h = jnp.where(row < N, h, 0.0)
    z2 = jnp.dot(h, w_ref[...], preferred_element_type=jnp.float32,
                 precision=lax.Precision.HIGHEST)
    o_ref[...] = z2 * dis


def _tc_c_body(aa_ref, ab_ref, z_ref, dis_ref, b_ref, o_ref):
    dis = dis_ref[...][:, None]
    o_ref[...] = (aa_ref[...] + ab_ref[...] + z_ref[...]) * dis + b_ref[...]


def _tc_a(x_p, W, deg16):
    return pl.pallas_call(
        _tc_a_body,
        grid=(NP // BR,),
        in_specs=[
            pl.BlockSpec((BR, 128), lambda i: (i, 0)),
            pl.BlockSpec((128, 128), lambda i: (0, 0)),
            pl.BlockSpec((BR, 128), lambda i: (i, 0)),
            pl.BlockSpec((BR, 128), lambda i: (i + OFF, 0)),
        ],
        out_specs=[
            pl.BlockSpec((BR, 128), lambda i: (i, 0)),
            pl.BlockSpec((BR,), lambda i: (i,)),
        ],
        out_shape=[
            jax.ShapeDtypeStruct((NP, 128), jnp.float32),
            jax.ShapeDtypeStruct((NP,), jnp.float32),
        ],
    )(x_p, W, deg16, deg16)


def _tc_b(acc2, z1, dis, b1, W2):
    return pl.pallas_call(
        _tc_b_body,
        grid=(NP // BR,),
        in_specs=[
            pl.BlockSpec((BR, 128), lambda i: (i, 0)),
            pl.BlockSpec((BR, 128), lambda i: (i + OFF, 0)),
            pl.BlockSpec((BR, 128), lambda i: (i, 0)),
            pl.BlockSpec((BR,), lambda i: (i,)),
            pl.BlockSpec((128,), lambda i: (0,)),
            pl.BlockSpec((128, 128), lambda i: (0, 0)),
        ],
        out_specs=pl.BlockSpec((BR, 128), lambda i: (i, 0)),
        out_shape=jax.ShapeDtypeStruct((NP, 128), jnp.float32),
    )(acc2, acc2, z1, dis, b1, W2)


def _tc_c(acc2, z2, dis, b2):
    return pl.pallas_call(
        _tc_c_body,
        grid=(NP // BR,),
        in_specs=[
            pl.BlockSpec((BR, 128), lambda i: (i, 0)),
            pl.BlockSpec((BR, 128), lambda i: (i + OFF, 0)),
            pl.BlockSpec((BR, 128), lambda i: (i, 0)),
            pl.BlockSpec((BR,), lambda i: (i,)),
            pl.BlockSpec((128,), lambda i: (0,)),
        ],
        out_specs=pl.BlockSpec((BR, 128), lambda i: (i, 0)),
        out_shape=jax.ShapeDtypeStruct((NP, 128), jnp.float32),
    )(acc2, acc2, z2, dis, b2)



def kernel(x, edge_index, W1, b1, W2, b2):
    src = edge_index[0].astype(jnp.int32)
    dst = edge_index[1].astype(jnp.int32)
    x_p = jnp.zeros((NP, 128), jnp.float32).at[:N].set(x)

    deg16 = _sc_degree(dst)
    z1, dis = _tc_a(x_p, W1, deg16)
    acc1 = _sc_scatter(z1, src, dst)
    z2 = _tc_b(acc1, z1, dis, b1, W2)
    acc2 = _sc_scatter(z2, src, dst)
    return _tc_c(acc2, z2, dis, b2)[:N]

# --- scband reference (transcript-rebuilt; emitter-appended) ---
"""Pipeline reference for scband-gcnexplainer-1709396984302 (READ-ONLY COPY).

The authoritative reference and input builder live on the scoring server;
editing this copy changes nothing except your own understanding.
"""

import jax, jax.numpy as jnp
import numpy as np

N_NODES = 10000
N_EDGES = 320000
D_IN = 128
D_HID = 128
D_OUT = 128

def setup_inputs(seed: int = 0) -> dict:
    key = jax.random.key(seed)
    k1, k2, k3, k4, k5, k6 = jax.random.split(key, 6)
    x = jax.random.normal(k1, (N_NODES, D_IN), dtype=jnp.float32)
    edge_index = jax.random.randint(k2, (2, N_EDGES), 0, N_NODES, dtype=jnp.int64)
    # GCNConv linear weights (glorot-like) and biases
    W1 = jax.random.normal(k3, (D_IN, D_HID), dtype=jnp.float32) * (1.0 / np.sqrt(D_IN))
    b1 = jnp.zeros((D_HID,), dtype=jnp.float32)
    W2 = jax.random.normal(k4, (D_HID, D_OUT), dtype=jnp.float32) * (1.0 / np.sqrt(D_HID))
    b2 = jnp.zeros((D_OUT,), dtype=jnp.float32)
    return {"x": x, "edge_index": edge_index, "W1": W1, "b1": b1, "W2": W2, "b2": b2}

def _gcn_conv(x, edge_index, W, b):
    # Faithful PyG GCNConv: add self-loops, symmetric normalization, aggregate, linear, bias
    n = x.shape[0]
    loop = jnp.arange(n, dtype=edge_index.dtype)
    src = jnp.concatenate([edge_index[0], loop])
    dst = jnp.concatenate([edge_index[1], loop])
    deg = jnp.zeros((n,), dtype=x.dtype).at[dst].add(1.0)
    deg_inv_sqrt = jnp.where(deg > 0, 1.0 / jnp.sqrt(deg), 0.0)
    norm = deg_inv_sqrt[src] * deg_inv_sqrt[dst]
    xw = x @ W
    msg = xw[src] * norm[:, None]
    out = jnp.zeros((n, xw.shape[1]), dtype=x.dtype).at[dst].add(msg)
    return out + b

def reference(x, edge_index, W1, b1, W2, b2):
    # forward: conv_first -> relu -> (dropout disabled) -> conv_out
    h = _gcn_conv(x, edge_index, W1, b1)
    h = jax.nn.relu(h)
    out = _gcn_conv(h, edge_index, W2, b2)
    return out

if __name__ == "__main__":
    import jax
    _d = setup_inputs()
    print(jax.jit(kernel)(*tuple(_d.values())))

</pallas_src>

<mosaic_0001>
#map = affine_map<(d0, d1) -> (0, 0)>
#map1 = affine_map<(d0, d1) -> (0)>
module attributes {stable_mosaic.version = 14 : i64} {
  func.func @_sc_scatter(%arg0: i32, %arg1: i32, %arg2: memref<10240x128xf32, #tpu.memory_space<hbm>>, %arg3: memref<320000xi32, #tpu.memory_space<hbm>>, %arg4: memref<320000xi32, #tpu.memory_space<hbm>>, %arg5: memref<20480x128xf32, #tpu.memory_space<hbm>>, %arg6: memref<9984xi32, #tpu.memory_space<vmem>>, %arg7: memref<128xi32, #tpu.memory_space<vmem>>, %arg8: memref<128xi32, #tpu.memory_space<vmem>>, %arg9: memref<128x128xf32, #tpu.memory_space<vmem>>, %arg10: memref<128x128xf32, #tpu.memory_space<vmem>>, %arg11: memref<!tpu.dma_semaphore, #tpu.memory_space<semaphore_mem>>, %arg12: memref<!tpu.dma_semaphore, #tpu.memory_space<semaphore_mem>>, %arg13: memref<!tpu.dma_semaphore, #tpu.memory_space<semaphore_mem>>, %arg14: memref<10240x128xf32, #tpu.memory_space<vmem_shared>>) attributes {dimension_semantics = [#tpu.dimension_semantics<core_parallel>, #tpu.dimension_semantics<subcore_parallel>], iteration_bounds = array<i64: 2, 16>, scalar_prefetch = 0 : i64, scratch_operands = 9 : i64, tpu.core_type = #tpu.core_type<sc_vector_subcore>, window_params = [{transform_indices = #map}, {transform_indices = #map1}, {transform_indices = #map1}, {transform_indices = #map}]} {
    %mul3A = arith.constant 2 : i32
    %mul3A_0 = arith.muli %arg1, %mul3A : i32
    %add3A = arith.addi %mul3A_0, %arg0 : i32
    %mul3A_1 = arith.constant 78 : i32
    %mul3A_2 = arith.muli %add3A, %mul3A_1 : i32
    %min3A = arith.constant 4 : i32
    %min3A_3 = arith.minsi %add3A, %min3A : i32
    %add3A_4 = arith.addi %mul3A_2, %min3A_3 : i32
    %mul3A_5 = arith.constant 128 : i32
    %mul3A_6 = arith.muli %add3A_4, %mul3A_5 : i32
    %broadcast_in_dim3A = arith.constant 0.000000e+00 : f32
    %broadcast_in_dim3A_7 = vector.broadcast %broadcast_in_dim3A : f32 to vector<16xf32>
    %scan3A = arith.constant 0 : i32
    %scan3A_8 = arith.constant 0 : i32
    %scan3A_9 = arith.constant 128 : i32
    %scan3A_10 = arith.addi %scan3A_8, %scan3A_9 : i32
    %scan3A_11 = arith.constant 1 : i32
    scf.for %scan3A_66 = %scan3A_8 to %scan3A_10 step %scan3A_11  : i32 {
      %swap3A = arith.index_cast %scan3A_66 : i32 to index
      %swap3A_67 = arith.constant 0 : index
      %swap3A_68 = tpu.vector_load %arg9[%swap3A, %swap3A_67] {strides = array<i32>} : memref<128x128xf32, #tpu.memory_space<vmem>>, vector<1x16xf32>,
      %swap3A_69 = vector.shape_cast %swap3A_68 : vector<1x16xf32> to vector<16xf32>
      %swap3A_70 = vector.shape_cast %broadcast_in_dim3A_7 : vector<16xf32> to vector<1x16xf32>
      tpu.vector_store %arg9[%swap3A, %swap3A_67], %swap3A_70 {strides = array<i32>} : memref<128x128xf32, #tpu.memory_space<vmem>>, vector<1x16xf32>,
      %swap3A_71 = arith.index_cast %scan3A_66 : i32 to index
      %swap3A_72 = arith.constant 16 : index
      %swap3A_73 = tpu.vector_load %arg9[%swap3A_71, %swap3A_72] {strides = array<i32>} : memref<128x128xf32, #tpu.memory_space<vmem>>, vector<1x16xf32>,
      %swap3A_74 = vector.shape_cast %swap3A_73 : vector<1x16xf32> to vector<16xf32>
      %swap3A_75 = vector.shape_cast %broadcast_in_dim3A_7 : vector<16xf32> to vector<1x16xf32>
      tpu.vector_store %arg9[%swap3A_71, %swap3A_72], %swap3A_75 {strides = array<i32>} : memref<128x128xf32, #tpu.memory_space<vmem>>, vector<1x16xf32>,
      %swap3A_76 = arith.index_cast %scan3A_66 : i32 to index
      %swap3A_77 = arith.constant 32 : index
      %swap3A_78 = tpu.vector_load %arg9[%swap3A_76, %swap3A_77] {strides = array<i32>} : memref<128x128xf32, #tpu.memory_space<vmem>>, vector<1x16xf32>,
      %swap3A_79 = vector.shape_cast %swap3A_78 : vector<1x16xf32> to vector<16xf32>
      %swap3A_80 = vector.shape_cast %broadcast_in_dim3A_7 : vector<16xf32> to vector<1x16xf32>
      tpu.vector_store %arg9[%swap3A_76, %swap3A_77], %swap3A_80 {strides = array<i32>} : memref<128x128xf32, #tpu.memory_space<vmem>>, vector<1x16xf32>,
      %swap3A_81 = arith.index_cast %scan3A_66 : i32 to index
      %swap3A_82 = arith.constant 48 : index
      %swap3A_83 = tpu.vector_load %arg9[%swap3A_81, %swap3A_82] {strides = array<i32>} : memref<128x128xf32, #tpu.memory_space<vmem>>, vector<1x16xf32>,
      %swap3A_84 = vector.shape_cast %swap3A_83 : vector<1x16xf32> to vector<16xf32>
      %swap3A_85 = vector.shape_cast %broadcast_in_dim3A_7 : vector<16xf32> to vector<1x16xf32>
      tpu.vector_store %arg9[%swap3A_81, %swap3A_82], %swap3A_85 {strides = array<i32>} : memref<128x128xf32, #tpu.memory_space<vmem>>, vector<1x16xf32>,
      %swap3A_86 = arith.index_cast %scan3A_66 : i32 to index
      %swap3A_87 = arith.constant 64 : index
      %swap3A_88 = tpu.vector_load %arg9[%swap3A_86, %swap3A_87] {strides = array<i32>} : memref<128x128xf32, #tpu.memory_space<vmem>>, vector<1x16xf32>,
      %swap3A_89 = vector.shape_cast %swap3A_88 : vector<1x16xf32> to vector<16xf32>
      %swap3A_90 = vector.shape_cast %broadcast_in_dim3A_7 : vector<16xf32> to vector<1x16xf32>
      tpu.vector_store %arg9[%swap3A_86, %swap3A_87], %swap3A_90 {strides = array<i32>} : memref<128x128xf32, #tpu.memory_space<vmem>>, vector<1x16xf32>,
      %swap3A_91 = arith.index_cast %scan3A_66 : i32 to index
      %swap3A_92 = arith.constant 80 : index
      %swap3A_93 = tpu.vector_load %arg9[%swap3A_91, %swap3A_92] {strides = array<i32>} : memref<128x128xf32, #tpu.memory_space<vmem>>, vector<1x16xf32>,
      %swap3A_94 = vector.shape_cast %swap3A_93 : vector<1x16xf32> to vector<16xf32>
      %swap3A_95 = vector.shape_cast %broadcast_in_dim3A_7 : vector<16xf32> to vector<1x16xf32>
      tpu.vector_store %arg9[%swap3A_91, %swap3A_92], %swap3A_95 {strides = array<i32>} : memref<128x128xf32, #tpu.memory_space<vmem>>, vector<1x16xf32>,
      %swap3A_96 = arith.index_cast %scan3A_66 : i32 to index
      %swap3A_97 = arith.constant 96 : index
      %swap3A_98 = tpu.vector_load %arg9[%swap3A_96, %swap3A_97] {strides = array<i32>} : memref<128x128xf32, #tpu.memory_space<vmem>>, vector<1x16xf32>,
      %swap3A_99 = vector.shape_cast %swap3A_98 : vector<1x16xf32> to vector<16xf32>
      %swap3A_100 = vector.shape_cast %broadcast_in_dim3A_7 : vector<16xf32> to vector<1x16xf32>
      tpu.vector_store %arg9[%swap3A_96, %swap3A_97], %swap3A_100 {strides = array<i32>} : memref<128x128xf32, #tpu.memory_space<vmem>>, vector<1x16xf32>,
      %swap3A_101 = arith.index_cast %scan3A_66 : i32 to index
      %swap3A_102 = arith.constant 112 : index
      %swap3A_103 = tpu.vector_load %arg9[%swap3A_101, %swap3A_102] {strides = array<i32>} : memref<128x128xf32, #tpu.memory_space<vmem>>, vector<1x16xf32>,
      %swap3A_104 = vector.shape_cast %swap3A_103 : vector<1x16xf32> to vector<16xf32>
      %swap3A_105 = vector.shape_cast %broadcast_in_dim3A_7 : vector<16xf32> to vector<1x16xf32>
      tpu.vector_store %arg9[%swap3A_101, %swap3A_102], %swap3A_105 {strides = array<i32>} : memref<128x128xf32, #tpu.memory_space<vmem>>, vector<1x16xf32>,
    }
    %scan3A_12 = arith.constant 128 : i32
    %mul3A_13 = arith.constant 640 : i32
    %mul3A_14 = arith.muli %arg1, %mul3A_13 : i32
    %add3A_15 = arith.constant 0 : i32
    %add3A_16 = arith.addi %mul3A_14, %add3A_15 : i32
    "tpu.region"() ({
      %run_scoped3A = tpu.sem_alloc : memref<!tpu.dma_semaphore, #tpu.memory_space<semaphore_mem>>
      %dma_start3A_66 = arith.constant 0 : i32
      %dma_start3A_67 = tpu.memref_slice %arg14[%add3A_16, %dma_start3A_66] : memref<10240x128xf32, #tpu.memory_space<vmem_shared>> -> memref<128x128xf32, #tpu.memory_space<vmem_shared>>
      %dma_start3A_68 = arith.constant 0 : i32
      %dma_start3A_69 = tpu.memref_slice %arg14[%add3A_16, %dma_start3A_68] : memref<10240x128xf32, #tpu.memory_space<vmem_shared>> -> memref<128x128xf32, #tpu.memory_space<vmem_shared>>
      tpu.enqueue_dma source(%arg9 : memref<128x128xf32, #tpu.memory_space<vmem>>) target(%dma_start3A_69 : memref<128x128xf32, #tpu.memory_space<vmem_shared>>) target_semaphore(%run_scoped3A : memref<!tpu.dma_semaphore, #tpu.memory_space<semaphore_mem>>)
      %dma_wait3A = arith.constant 0 : i32
      %dma_wait3A_70 = tpu.memref_slice %arg14[%add3A_16, %dma_wait3A] : memref<10240x128xf32, #tpu.memory_space<vmem_shared>> -> memref<128x128xf32, #tpu.memory_space<vmem_shared>>
      %dma_wait3A_71 = arith.constant 0 : i32
      %dma_wait3A_72 = tpu.memref_slice %arg14[%add3A_16, %dma_wait3A_71] : memref<10240x128xf32, #tpu.memory_space<vmem_shared>> -> memref<128x128xf32, #tpu.memory_space<vmem_shared>>
      tpu.wait_dma2 semaphore(%run_scoped3A : memref<!tpu.dma_semaphore, #tpu.memory_space<semaphore_mem>>) src(%arg9 : memref<128x128xf32, #tpu.memory_space<vmem>>) dst(%dma_wait3A_72 : memref<128x128xf32, #tpu.memory_space<vmem_shared>>)
      tpu.yield
    }) : () -> ()
    %mul3A_17 = arith.constant 640 : i32
    %mul3A_18 = arith.muli %arg1, %mul3A_17 : i32
    %add3A_19 = arith.constant 128 : i32
    %add3A_20 = arith.addi %mul3A_18, %add3A_19 : i32
    "tpu.region"() ({
      %run_scoped3A = tpu.sem_alloc : memref<!tpu.dma_semaphore, #tpu.memory_space<semaphore_mem>>
      %dma_start3A_66 = arith.constant 0 : i32
      %dma_start3A_67 = tpu.memref_slice %arg14[%add3A_20, %dma_start3A_66] : memref<10240x128xf32, #tpu.memory_space<vmem_shared>> -> memref<128x128xf32, #tpu.memory_space<vmem_shared>>
      %dma_start3A_68 = arith.constant 0 : i32
      %dma_start3A_69 = tpu.memref_slice %arg14[%add3A_20, %dma_start3A_68] : memref<10240x128xf32, #tpu.memory_space<vmem_shared>> -> memref<128x128xf32, #tpu.memory_space<vmem_shared>>
      tpu.enqueue_dma source(%arg9 : memref<128x128xf32, #tpu.memory_space<vmem>>) target(%dma_start3A_69 : memref<128x128xf32, #tpu.memory_space<vmem_shared>>) target_semaphore(%run_scoped3A : memref<!tpu.dma_semaphore, #tpu.memory_space<semaphore_mem>>)
      %dma_wait3A = arith.constant 0 : i32
      %dma_wait3A_70 = tpu.memref_slice %arg14[%add3A_20, %dma_wait3A] : memref<10240x128xf32, #tpu.memory_space<vmem_shared>> -> memref<128x128xf32, #tpu.memory_space<vmem_shared>>
      %dma_wait3A_71 = arith.constant 0 : i32
      %dma_wait3A_72 = tpu.memref_slice %arg14[%add3A_20, %dma_wait3A_71] : memref<10240x128xf32, #tpu.memory_space<vmem_shared>> -> memref<128x128xf32, #tpu.memory_space<vmem_shared>>
      tpu.wait_dma2 semaphore(%run_scoped3A : memref<!tpu.dma_semaphore, #tpu.memory_space<semaphore_mem>>) src(%arg9 : memref<128x128xf32, #tpu.memory_space<vmem>>) dst(%dma_wait3A_72 : memref<128x128xf32, #tpu.memory_space<vmem_shared>>)
      tpu.yield
    }) : () -> ()
    %mul3A_21 = arith.constant 640 : i32
    %mul3A_22 = arith.muli %arg1, %mul3A_21 : i32
    %add3A_23 = arith.constant 256 : i32
    %add3A_24 = arith.addi %mul3A_22, %add3A_23 : i32
    "tpu.region"() ({
      %run_scoped3A = tpu.sem_alloc : memref<!tpu.dma_semaphore, #tpu.memory_space<semaphore_mem>>
      %dma_start3A_66 = arith.constant 0 : i32
      %dma_start3A_67 = tpu.memref_slice %arg14[%add3A_24, %dma_start3A_66] : memref<10240x128xf32, #tpu.memory_space<vmem_shared>> -> memref<128x128xf32, #tpu.memory_space<vmem_shared>>
      %dma_start3A_68 = arith.constant 0 : i32
      %dma_start3A_69 = tpu.memref_slice %arg14[%add3A_24, %dma_start3A_68] : memref<10240x128xf32, #tpu.memory_space<vmem_shared>> -> memref<128x128xf32, #tpu.memory_space<vmem_shared>>
      tpu.enqueue_dma source(%arg9 : memref<128x128xf32, #tpu.memory_space<vmem>>) target(%dma_start3A_69 : memref<128x128xf32, #tpu.memory_space<vmem_shared>>) target_semaphore(%run_scoped3A : memref<!tpu.dma_semaphore, #tpu.memory_space<semaphore_mem>>)
      %dma_wait3A = arith.constant 0 : i32
      %dma_wait3A_70 = tpu.memref_slice %arg14[%add3A_24, %dma_wait3A] : memref<10240x128xf32, #tpu.memory_space<vmem_shared>> -> memref<128x128xf32, #tpu.memory_space<vmem_shared>>
      %dma_wait3A_71 = arith.constant 0 : i32
      %dma_wait3A_72 = tpu.memref_slice %arg14[%add3A_24, %dma_wait3A_71] : memref<10240x128xf32, #tpu.memory_space<vmem_shared>> -> memref<128x128xf32, #tpu.memory_space<vmem_shared>>
      tpu.wait_dma2 semaphore(%run_scoped3A : memref<!tpu.dma_semaphore, #tpu.memory_space<semaphore_mem>>) src(%arg9 : memref<128x128xf32, #tpu.memory_space<vmem>>) dst(%dma_wait3A_72 : memref<128x128xf32, #tpu.memory_space<vmem_shared>>)
      tpu.yield
    }) : () -> ()
    %mul3A_25 = arith.constant 640 : i32
    %mul3A_26 = arith.muli %arg1, %mul3A_25 : i32
    %add3A_27 = arith.constant 384 : i32
    %add3A_28 = arith.addi %mul3A_26, %add3A_27 : i32
    "tpu.region"() ({
      %run_scoped3A = tpu.sem_alloc : memref<!tpu.dma_semaphore, #tpu.memory_space<semaphore_mem>>
      %dma_start3A_66 = arith.constant 0 : i32
      %dma_start3A_67 = tpu.memref_slice %arg14[%add3A_28, %dma_start3A_66] : memref<10240x128xf32, #tpu.memory_space<vmem_shared>> -> memref<128x128xf32, #tpu.memory_space<vmem_shared>>
      %dma_start3A_68 = arith.constant 0 : i32
      %dma_start3A_69 = tpu.memref_slice %arg14[%add3A_28, %dma_start3A_68] : memref<10240x128xf32, #tpu.memory_space<vmem_shared>> -> memref<128x128xf32, #tpu.memory_space<vmem_shared>>
      tpu.enqueue_dma source(%arg9 : memref<128x128xf32, #tpu.memory_space<vmem>>) target(%dma_start3A_69 : memref<128x128xf32, #tpu.memory_space<vmem_shared>>) target_semaphore(%run_scoped3A : memref<!tpu.dma_semaphore, #tpu.memory_space<semaphore_mem>>)
      %dma_wait3A = arith.constant 0 : i32
      %dma_wait3A_70 = tpu.memref_slice %arg14[%add3A_28, %dma_wait3A] : memref<10240x128xf32, #tpu.memory_space<vmem_shared>> -> memref<128x128xf32, #tpu.memory_space<vmem_shared>>
      %dma_wait3A_71 = arith.constant 0 : i32
      %dma_wait3A_72 = tpu.memref_slice %arg14[%add3A_28, %dma_wait3A_71] : memref<10240x128xf32, #tpu.memory_space<vmem_shared>> -> memref<128x128xf32, #tpu.memory_space<vmem_shared>>
      tpu.wait_dma2 semaphore(%run_scoped3A : memref<!tpu.dma_semaphore, #tpu.memory_space<semaphore_mem>>) src(%arg9 : memref<128x128xf32, #tpu.memory_space<vmem>>) dst(%dma_wait3A_72 : memref<128x128xf32, #tpu.memory_space<vmem_shared>>)
      tpu.yield
    }) : () -> ()
    %mul3A_29 = arith.constant 640 : i32
    %mul3A_30 = arith.muli %arg1, %mul3A_29 : i32
    %add3A_31 = arith.constant 512 : i32
    %add3A_32 = arith.addi %mul3A_30, %add3A_31 : i32
    "tpu.region"() ({
      %run_scoped3A = tpu.sem_alloc : memref<!tpu.dma_semaphore, #tpu.memory_space<semaphore_mem>>
      %dma_start3A_66 = arith.constant 0 : i32
      %dma_start3A_67 = tpu.memref_slice %arg14[%add3A_32, %dma_start3A_66] : memref<10240x128xf32, #tpu.memory_space<vmem_shared>> -> memref<128x128xf32, #tpu.memory_space<vmem_shared>>
      %dma_start3A_68 = arith.constant 0 : i32
      %dma_start3A_69 = tpu.memref_slice %arg14[%add3A_32, %dma_start3A_68] : memref<10240x128xf32, #tpu.memory_space<vmem_shared>> -> memref<128x128xf32, #tpu.memory_space<vmem_shared>>
      tpu.enqueue_dma source(%arg9 : memref<128x128xf32, #tpu.memory_space<vmem>>) target(%dma_start3A_69 : memref<128x128xf32, #tpu.memory_space<vmem_shared>>) target_semaphore(%run_scoped3A : memref<!tpu.dma_semaphore, #tpu.memory_space<semaphore_mem>>)
      %dma_wait3A = arith.constant 0 : i32
      %dma_wait3A_70 = tpu.memref_slice %arg14[%add3A_32, %dma_wait3A] : memref<10240x128xf32, #tpu.memory_space<vmem_shared>> -> memref<128x128xf32, #tpu.memory_space<vmem_shared>>
      %dma_wait3A_71 = arith.constant 0 : i32
      %dma_wait3A_72 = tpu.memref_slice %arg14[%add3A_32, %dma_wait3A_71] : memref<10240x128xf32, #tpu.memory_space<vmem_shared>> -> memref<128x128xf32, #tpu.memory_space<vmem_shared>>
      tpu.wait_dma2 semaphore(%run_scoped3A : memref<!tpu.dma_semaphore, #tpu.memory_space<semaphore_mem>>) src(%arg9 : memref<128x128xf32, #tpu.memory_space<vmem>>) dst(%dma_wait3A_72 : memref<128x128xf32, #tpu.memory_space<vmem_shared>>)
      tpu.yield
    }) : () -> ()
    "tpu.region"() ({
      %run_scoped3A = tpu.sem_alloc : memref<!tpu.dma_semaphore, #tpu.memory_space<semaphore_mem>>
      %dma_start3A_66 = tpu.memref_slice %arg3[%mul3A_6] : memref<320000xi32, #tpu.memory_space<hbm>> -> memref<9984xi32, #tpu.memory_space<hbm>>
      %dma_start3A_67 = tpu.memref_slice %arg3[%mul3A_6] : memref<320000xi32, #tpu.memory_space<hbm>> -> memref<9984xi32, #tpu.memory_space<hbm>>
      tpu.enqueue_dma source(%dma_start3A_67 : memref<9984xi32, #tpu.memory_space<hbm>>) target(%arg6 : memref<9984xi32, #tpu.memory_space<vmem>>) target_semaphore(%run_scoped3A : memref<!tpu.dma_semaphore, #tpu.memory_space<semaphore_mem>>)
      %dma_wait3A = tpu.memref_slice %arg3[%mul3A_6] : memref<320000xi32, #tpu.memory_space<hbm>> -> memref<9984xi32, #tpu.memory_space<hbm>>
      %dma_wait3A_68 = tpu.memref_slice %arg3[%mul3A_6] : memref<320000xi32, #tpu.memory_space<hbm>> -> memref<9984xi32, #tpu.memory_space<hbm>>
      tpu.wait_dma2 semaphore(%run_scoped3A : memref<!tpu.dma_semaphore, #tpu.memory_space<semaphore_mem>>) src(%dma_wait3A_68 : memref<9984xi32, #tpu.memory_space<hbm>>) dst(%arg6 : memref<9984xi32, #tpu.memory_space<vmem>>)
      tpu.yield
    }) : () -> ()
    %barrier3A = arith.constant 0 : index
    tpu.barrier barrier_id(%barrier3A)
    %add3A_33 = arith.constant 0 : i32
    %add3A_34 = arith.addi %mul3A_6, %add3A_33 : i32
    %dma_start3A = tpu.memref_slice %arg4[%add3A_34] : memref<320000xi32, #tpu.memory_space<hbm>> -> memref<128xi32, #tpu.memory_space<hbm>>
    %dma_start3A_35 = tpu.memref_slice %arg4[%add3A_34] : memref<320000xi32, #tpu.memory_space<hbm>> -> memref<128xi32, #tpu.memory_space<hbm>>
    tpu.enqueue_dma source(%dma_start3A_35 : memref<128xi32, #tpu.memory_space<hbm>>) target(%arg7 : memref<128xi32, #tpu.memory_space<vmem>>) target_semaphore(%arg11 : memref<!tpu.dma_semaphore, #tpu.memory_space<semaphore_mem>>)
    %dma_start3A_36 = arith.constant 0 : i32
    %dma_start3A_37 = tpu.memref_slice %arg6[%dma_start3A_36] : memref<9984xi32, #tpu.memory_space<vmem>> -> memref<128xi32, #tpu.memory_space<vmem>>
    %dma_start3A_38 = arith.constant 0 : i32
    %dma_start3A_39 = arith.constant 0 : i32
    %dma_start3A_40 = tpu.memref_slice %arg2[%dma_start3A_38, %dma_start3A_39] : memref<10240x128xf32, #tpu.memory_space<hbm>> -> memref<10240x128xf32, #tpu.memory_space<hbm>>
    tpu.enqueue_indirect_dma source(%dma_start3A_40 : memref<10240x128xf32, #tpu.memory_space<hbm>>) target(%arg9 : memref<128x128xf32, #tpu.memory_space<vmem>>) offsets(%dma_start3A_37 : memref<128xi32, #tpu.memory_space<vmem>>) semaphore(%arg13 : memref<!tpu.dma_semaphore, #tpu.memory_space<semaphore_mem>>)
    %add3A_41 = arith.constant 128 : i32
    %add3A_42 = arith.addi %mul3A_6, %add3A_41 : i32
    %dma_start3A_43 = tpu.memref_slice %arg4[%add3A_42] : memref<320000xi32, #tpu.memory_space<hbm>> -> memref<128xi32, #tpu.memory_space<hbm>>
    %dma_start3A_44 = tpu.memref_slice %arg4[%add3A_42] : memref<320000xi32, #tpu.memory_space<hbm>> -> memref<128xi32, #tpu.memory_space<hbm>>
    tpu.enqueue_dma source(%dma_start3A_44 : memref<128xi32, #tpu.memory_space<hbm>>) target(%arg8 : memref<128xi32, #tpu.memory_space<vmem>>) target_semaphore(%arg12 : memref<!tpu.dma_semaphore, #tpu.memory_space<semaphore_mem>>)
    %dma_start3A_45 = arith.constant 128 : i32
    %dma_start3A_46 = tpu.memref_slice %arg6[%dma_start3A_45] : memref<9984xi32, #tpu.memory_space<vmem>> -> memref<128xi32, #tpu.memory_space<vmem>>
    %dma_start3A_47 = arith.constant 0 : i32
    %dma_start3A_48 = arith.constant 0 : i32
    %dma_start3A_49 = tpu.memref_slice %arg2[%dma_start3A_47, %dma_start3A_48] : memref<10240x128xf32, #tpu.memory_space<hbm>> -> memref<10240x128xf32, #tpu.memory_space<hbm>>
    tpu.enqueue_indirect_dma source(%dma_start3A_49 : memref<10240x128xf32, #tpu.memory_space<hbm>>) target(%arg10 : memref<128x128xf32, #tpu.memory_space<vmem>>) offsets(%dma_start3A_46 : memref<128xi32, #tpu.memory_space<vmem>>) semaphore(%arg13 : memref<!tpu.dma_semaphore, #tpu.memory_space<semaphore_mem>>)
    %scan3A_50 = arith.constant 0 : i32
    %scan3A_51 = arith.constant 0 : i32
    %scan3A_52 = arith.constant 39 : i32
    %scan3A_53 = arith.addi %scan3A_51, %scan3A_52 : i32
    %scan3A_54 = arith.constant 1 : i32
    scf.for %scan3A_66 = %scan3A_51 to %scan3A_53 step %scan3A_54  : i32 {
      %mul3A_67 = arith.constant 2 : i32
      %mul3A_68 = arith.muli %scan3A_66, %mul3A_67 : i32
      %add3A_69 = arith.constant 0 : i32
      %add3A_70 = arith.addi %mul3A_68, %add3A_69 : i32
      %dma_wait3A = arith.constant 0 : i32
      %dma_wait3A_71 = tpu.memref_slice %arg4[%dma_wait3A] : memref<320000xi32, #tpu.memory_space<hbm>> -> memref<128xi32, #tpu.memory_space<hbm>>
      %dma_wait3A_72 = arith.constant 0 : i32
      %dma_wait3A_73 = tpu.memref_slice %arg4[%dma_wait3A_72] : memref<320000xi32, #tpu.memory_space<hbm>> -> memref<128xi32, #tpu.memory_space<hbm>>
      tpu.wait_dma2 semaphore(%arg11 : memref<!tpu.dma_semaphore, #tpu.memory_space<semaphore_mem>>) src(%dma_wait3A_73 : memref<128xi32, #tpu.memory_space<hbm>>) dst(%arg7 : memref<128xi32, #tpu.memory_space<vmem>>)
      %dma_wait3A_74 = arith.constant 0 : i32
      %dma_wait3A_75 = arith.constant 0 : i32
      %dma_wait3A_76 = tpu.memref_slice %arg2[%dma_wait3A_74, %dma_wait3A_75] : memref<10240x128xf32, #tpu.memory_space<hbm>> -> memref<128x128xf32, #tpu.memory_space<hbm>>
      %dma_wait3A_77 = arith.constant 0 : i32
      %dma_wait3A_78 = arith.constant 0 : i32
      %dma_wait3A_79 = tpu.memref_slice %arg2[%dma_wait3A_77, %dma_wait3A_78] : memref<10240x128xf32, #tpu.memory_space<hbm>> -> memref<128x128xf32, #tpu.memory_space<hbm>>
      tpu.wait_dma2 semaphore(%arg13 : memref<!tpu.dma_semaphore, #tpu.memory_space<semaphore_mem>>) src(%dma_wait3A_79 : memref<128x128xf32, #tpu.memory_space<hbm>>) dst(%arg9 : memref<128x128xf32, #tpu.memory_space<vmem>>)
      "tpu.region"() ({
        %run_scoped3A = tpu.sem_alloc : memref<!tpu.dma_semaphore, #tpu.memory_space<semaphore_mem>>
        %dma_start3A_104 = arith.constant 0 : i32
        %dma_start3A_105 = arith.constant 0 : i32
        %dma_start3A_106 = tpu.memref_slice %arg14[%dma_start3A_104, %dma_start3A_105] : memref<10240x128xf32, #tpu.memory_space<vmem_shared>> -> memref<10240x128xf32, #tpu.memory_space<vmem_shared>>
        tpu.enqueue_indirect_dma source(%arg9 : memref<128x128xf32, #tpu.memory_space<vmem>>) target(%dma_start3A_106 : memref<10240x128xf32, #tpu.memory_space<vmem_shared>>) offsets(%arg7 : memref<128xi32, #tpu.memory_space<vmem>>) semaphore(%run_scoped3A : memref<!tpu.dma_semaphore, #tpu.memory_space<semaphore_mem>>) {add = true}
        %dma_wait3A_107 = arith.constant 0 : i32
        %dma_wait3A_108 = arith.constant 0 : i32
        %dma_wait3A_109 = tpu.memref_slice %arg14[%dma_wait3A_107, %dma_wait3A_108] : memref<10240x128xf32, #tpu.memory_space<vmem_shared>> -> memref<10240x128xf32, #tpu.memory_space<vmem_shared>>
        tpu.wait_indirect_dma semaphore(%run_scoped3A : memref<!tpu.dma_semaphore, #tpu.memory_space<semaphore_mem>>) src(%arg9 : memref<128x128xf32, #tpu.memory_space<vmem>>) dst(%dma_wait3A_109 : memref<10240x128xf32, #tpu.memory_space<vmem_shared>>)
        tpu.yield
      }) : () -> ()
      %lt3A_80 = arith.constant 38 : i32
      %lt3A_81 = arith.cmpi slt, %scan3A_66, %lt3A_80 : i32
      %convert_element_type3A_82 = arith.extui %lt3A_81 : i1 to i32
      %cond3A_83 = arith.constant 0 : i32
      %cond3A_84 = arith.cmpi ne, %convert_element_type3A_82, %cond3A_83 : i32
      scf.if %cond3A_84 {
        %add3A_104 = arith.constant 2 : i32
        %add3A_105 = arith.addi %add3A_70, %add3A_104 : i32
        %mul3A_106 = arith.constant 128 : i32
        %mul3A_107 = arith.muli %add3A_105, %mul3A_106 : i32
        %add3A_108 = arith.addi %mul3A_6, %mul3A_107 : i32
        %dma_start3A_109 = tpu.memref_slice %arg4[%add3A_108] : memref<320000xi32, #tpu.memory_space<hbm>> -> memref<128xi32, #tpu.memory_space<hbm>>
        %dma_start3A_110 = tpu.memref_slice %arg4[%add3A_108] : memref<320000xi32, #tpu.memory_space<hbm>> -> memref<128xi32, #tpu.memory_space<hbm>>
        tpu.enqueue_dma source(%dma_start3A_110 : memref<128xi32, #tpu.memory_space<hbm>>) target(%arg7 : memref<128xi32, #tpu.memory_space<vmem>>) target_semaphore(%arg11 : memref<!tpu.dma_semaphore, #tpu.memory_space<semaphore_mem>>)
        %add3A_111 = arith.constant 2 : i32
        %add3A_112 = arith.addi %add3A_70, %add3A_111 : i32
        %mul3A_113 = arith.constant 128 : i32
        %mul3A_114 = arith.muli %add3A_112, %mul3A_113 : i32
        %dma_start3A_115 = tpu.memref_slice %arg6[%mul3A_114] : memref<9984xi32, #tpu.memory_space<vmem>> -> memref<128xi32, #tpu.memory_space<vmem>>
        %dma_start3A_116 = arith.constant 0 : i32
        %dma_start3A_117 = arith.constant 0 : i32
        %dma_start3A_118 = tpu.memref_slice %arg2[%dma_start3A_116, %dma_start3A_117] : memref<10240x128xf32, #tpu.memory_space<hbm>> -> memref<10240x128xf32, #tpu.memory_space<hbm>>
        tpu.enqueue_indirect_dma source(%dma_start3A_118 : memref<10240x128xf32, #tpu.memory_space<hbm>>) target(%arg9 : memref<128x128xf32, #tpu.memory_space<vmem>>) offsets(%dma_start3A_115 : memref<128xi32, #tpu.memory_space<vmem>>) semaphore(%arg13 : memref<!tpu.dma_semaphore, #tpu.memory_space<semaphore_mem>>)
      } else {
      }
      %mul3A_85 = arith.constant 2 : i32
      %mul3A_86 = arith.muli %scan3A_66, %mul3A_85 : i32
      %add3A_87 = arith.constant 1 : i32
      %add3A_88 = arith.addi %mul3A_86, %add3A_87 : i32
      %dma_wait3A_89 = arith.constant 0 : i32
      %dma_wait3A_90 = tpu.memref_slice %arg4[%dma_wait3A_89] : memref<320000xi32, #tpu.memory_space<hbm>> -> memref<128xi32, #tpu.memory_space<hbm>>
      %dma_wait3A_91 = arith.constant 0 : i32
      %dma_wait3A_92 = tpu.memref_slice %arg4[%dma_wait3A_91] : memref<320000xi32, #tpu.memory_space<hbm>> -> memref<128xi32, #tpu.memory_space<hbm>>
      tpu.wait_dma2 semaphore(%arg12 : memref<!tpu.dma_semaphore, #tpu.memory_space<semaphore_mem>>) src(%dma_wait3A_92 : memref<128xi32, #tpu.memory_space<hbm>>) dst(%arg8 : memref<128xi32, #tpu.memory_space<vmem>>)
      %dma_wait3A_93 = arith.constant 0 : i32
      %dma_wait3A_94 = arith.constant 0 : i32
      %dma_wait3A_95 = tpu.memref_slice %arg2[%dma_wait3A_93, %dma_wait3A_94] : memref<10240x128xf32, #tpu.memory_space<hbm>> -> memref<128x128xf32, #tpu.memory_space<hbm>>
      %dma_wait3A_96 = arith.constant 0 : i32
      %dma_wait3A_97 = arith.constant 0 : i32
      %dma_wait3A_98 = tpu.memref_slice %arg2[%dma_wait3A_96, %dma_wait3A_97] : memref<10240x128xf32, #tpu.memory_space<hbm>> -> memref<128x128xf32, #tpu.memory_space<hbm>>
      tpu.wait_dma2 semaphore(%arg13 : memref<!tpu.dma_semaphore, #tpu.memory_space<semaphore_mem>>) src(%dma_wait3A_98 : memref<128x128xf32, #tpu.memory_space<hbm>>) dst(%arg10 : memref<128x128xf32, #tpu.memory_space<vmem>>)
      "tpu.region"() ({
        %run_scoped3A = tpu.sem_alloc : memref<!tpu.dma_semaphore, #tpu.memory_space<semaphore_mem>>
        %dma_start3A_104 = arith.constant 0 : i32
        %dma_start3A_105 = arith.constant 0 : i32
        %dma_start3A_106 = tpu.memref_slice %arg14[%dma_start3A_104, %dma_start3A_105] : memref<10240x128xf32, #tpu.memory_space<vmem_shared>> -> memref<10240x128xf32, #tpu.memory_space<vmem_shared>>
        tpu.enqueue_indirect_dma source(%arg10 : memref<128x128xf32, #tpu.memory_space<vmem>>) target(%dma_start3A_106 : memref<10240x128xf32, #tpu.memory_space<vmem_shared>>) offsets(%arg8 : memref<128xi32, #tpu.memory_space<vmem>>) semaphore(%run_scoped3A : memref<!tpu.dma_semaphore, #tpu.memory_space<semaphore_mem>>) {add = true}
        %dma_wait3A_107 = arith.constant 0 : i32
        %dma_wait3A_108 = arith.constant 0 : i32
        %dma_wait3A_109 = tpu.memref_slice %arg14[%dma_wait3A_107, %dma_wait3A_108] : memref<10240x128xf32, #tpu.memory_space<vmem_shared>> -> memref<10240x128xf32, #tpu.memory_space<vmem_shared>>
        tpu.wait_indirect_dma semaphore(%run_scoped3A : memref<!tpu.dma_semaphore, #tpu.memory_space<semaphore_mem>>) src(%arg10 : memref<128x128xf32, #tpu.memory_space<vmem>>) dst(%dma_wait3A_109 : memref<10240x128xf32, #tpu.memory_space<vmem_shared>>)
        tpu.yield
      }) : () -> ()
      %lt3A_99 = arith.constant 38 : i32
      %lt3A_100 = arith.cmpi slt, %scan3A_66, %lt3A_99 : i32
      %convert_element_type3A_101 = arith.extui %lt3A_100 : i1 to i32
      %cond3A_102 = arith.constant 0 : i32
      %cond3A_103 = arith.cmpi ne, %convert_element_type3A_101, %cond3A_102 : i32
      scf.if %cond3A_103 {
        %add3A_104 = arith.constant 2 : i32
        %add3A_105 = arith.addi %add3A_88, %add3A_104 : i32
        %mul3A_106 = arith.constant 128 : i32
        %mul3A_107 = arith.muli %add3A_105, %mul3A_106 : i32
        %add3A_108 = arith.addi %mul3A_6, %mul3A_107 : i32
        %dma_start3A_109 = tpu.memref_slice %arg4[%add3A_108] : memref<320000xi32, #tpu.memory_space<hbm>> -> memref<128xi32, #tpu.memory_space<hbm>>
        %dma_start3A_110 = tpu.memref_slice %arg4[%add3A_108] : memref<320000xi32, #tpu.memory_space<hbm>> -> memref<128xi32, #tpu.memory_space<hbm>>
        tpu.enqueue_dma source(%dma_start3A_110 : memref<128xi32, #tpu.memory_space<hbm>>) target(%arg8 : memref<128xi32, #tpu.memory_space<vmem>>) target_semaphore(%arg12 : memref<!tpu.dma_semaphore, #tpu.memory_space<semaphore_mem>>)
        %add3A_111 = arith.constant 2 : i32
        %add3A_112 = arith.addi %add3A_88, %add3A_111 : i32
        %mul3A_113 = arith.constant 128 : i32
        %mul3A_114 = arith.muli %add3A_112, %mul3A_113 : i32
        %dma_start3A_115 = tpu.memref_slice %arg6[%mul3A_114] : memref<9984xi32, #tpu.memory_space<vmem>> -> memref<128xi32, #tpu.memory_space<vmem>>
        %dma_start3A_116 = arith.constant 0 : i32
        %dma_start3A_117 = arith.constant 0 : i32
        %dma_start3A_118 = tpu.memref_slice %arg2[%dma_start3A_116, %dma_start3A_117] : memref<10240x128xf32, #tpu.memory_space<hbm>> -> memref<10240x128xf32, #tpu.memory_space<hbm>>
        tpu.enqueue_indirect_dma source(%dma_start3A_118 : memref<10240x128xf32, #tpu.memory_space<hbm>>) target(%arg10 : memref<128x128xf32, #tpu.memory_space<vmem>>) offsets(%dma_start3A_115 : memref<128xi32, #tpu.memory_space<vmem>>) semaphore(%arg13 : memref<!tpu.dma_semaphore, #tpu.memory_space<semaphore_mem>>)
      } else {
      }
    }
    %scan3A_55 = arith.constant 39 : i32
    %lt3A = arith.constant 4 : i32
    %lt3A_56 = arith.cmpi slt, %add3A, %lt3A : i32
    %convert_element_type3A = arith.extui %lt3A_56 : i1 to i32
    %cond3A = arith.constant 0 : i32
    %cond3A_57 = arith.cmpi ne, %convert_element_type3A, %cond3A : i32
    scf.if %cond3A_57 {
      %add3A_66 = arith.constant 9984 : i32
      %add3A_67 = arith.addi %mul3A_6, %add3A_66 : i32
      "tpu.region"() ({
        %run_scoped3A = tpu.sem_alloc : memref<!tpu.dma_semaphore, #tpu.memory_space<semaphore_mem>>
        %dma_start3A_75 = tpu.memref_slice %arg4[%add3A_67] : memref<320000xi32, #tpu.memory_space<hbm>> -> memref<128xi32, #tpu.memory_space<hbm>>
        %dma_start3A_76 = tpu.memref_slice %arg4[%add3A_67] : memref<320000xi32, #tpu.memory_space<hbm>> -> memref<128xi32, #tpu.memory_space<hbm>>
        tpu.enqueue_dma source(%dma_start3A_76 : memref<128xi32, #tpu.memory_space<hbm>>) target(%arg7 : memref<128xi32, #tpu.memory_space<vmem>>) target_semaphore(%run_scoped3A : memref<!tpu.dma_semaphore, #tpu.memory_space<semaphore_mem>>)
        %dma_wait3A_77 = tpu.memref_slice %arg4[%add3A_67] : memref<320000xi32, #tpu.memory_space<hbm>> -> memref<128xi32, #tpu.memory_space<hbm>>
        %dma_wait3A_78 = tpu.memref_slice %arg4[%add3A_67] : memref<320000xi32, #tpu.memory_space<hbm>> -> memref<128xi32, #tpu.memory_space<hbm>>
        tpu.wait_dma2 semaphore(%run_scoped3A : memref<!tpu.dma_semaphore, #tpu.memory_space<semaphore_mem>>) src(%dma_wait3A_78 : memref<128xi32, #tpu.memory_space<hbm>>) dst(%arg7 : memref<128xi32, #tpu.memory_space<vmem>>)
        tpu.yield
      }) : () -> ()
      %add3A_68 = arith.constant 9984 : i32
      %add3A_69 = arith.addi %mul3A_6, %add3A_68 : i32
      "tpu.region"() ({
        %run_scoped3A = tpu.sem_alloc : memref<!tpu.dma_semaphore, #tpu.memory_space<semaphore_mem>>
        %dma_start3A_75 = tpu.memref_slice %arg3[%add3A_69] : memref<320000xi32, #tpu.memory_space<hbm>> -> memref<128xi32, #tpu.memory_space<hbm>>
        %dma_start3A_76 = tpu.memref_slice %arg3[%add3A_69] : memref<320000xi32, #tpu.memory_space<hbm>> -> memref<128xi32, #tpu.memory_space<hbm>>
        tpu.enqueue_dma source(%dma_start3A_76 : memref<128xi32, #tpu.memory_space<hbm>>) target(%arg8 : memref<128xi32, #tpu.memory_space<vmem>>) target_semaphore(%run_scoped3A : memref<!tpu.dma_semaphore, #tpu.memory_space<semaphore_mem>>)
        %dma_wait3A_77 = tpu.memref_slice %arg3[%add3A_69] : memref<320000xi32, #tpu.memory_space<hbm>> -> memref<128xi32, #tpu.memory_space<hbm>>
        %dma_wait3A_78 = tpu.memref_slice %arg3[%add3A_69] : memref<320000xi32, #tpu.memory_space<hbm>> -> memref<128xi32, #tpu.memory_space<hbm>>
        tpu.wait_dma2 semaphore(%run_scoped3A : memref<!tpu.dma_semaphore, #tpu.memory_space<semaphore_mem>>) src(%dma_wait3A_78 : memref<128xi32, #tpu.memory_space<hbm>>) dst(%arg8 : memref<128xi32, #tpu.memory_space<vmem>>)
        tpu.yield
      }) : () -> ()
      %dma_start3A_70 = arith.constant 0 : i32
      %dma_start3A_71 = arith.constant 0 : i32
      %dma_start3A_72 = tpu.memref_slice %arg2[%dma_start3A_70, %dma_start3A_71] : memref<10240x128xf32, #tpu.memory_space<hbm>> -> memref<10240x128xf32, #tpu.memory_space<hbm>>
      tpu.enqueue_indirect_dma source(%dma_start3A_72 : memref<10240x128xf32, #tpu.memory_space<hbm>>) target(%arg9 : memref<128x128xf32, #tpu.memory_space<vmem>>) offsets(%arg8 : memref<128xi32, #tpu.memory_space<vmem>>) semaphore(%arg13 : memref<!tpu.dma_semaphore, #tpu.memory_space<semaphore_mem>>)
      %dma_wait3A = arith.constant 0 : i32
      %dma_wait3A_73 = arith.constant 0 : i32
      %dma_wait3A_74 = tpu.memref_slice %arg2[%dma_wait3A, %dma_wait3A_73] : memref<10240x128xf32, #tpu.memory_space<hbm>> -> memref<10240x128xf32, #tpu.memory_space<hbm>>
      tpu.wait_indirect_dma semaphore(%arg13 : memref<!tpu.dma_semaphore, #tpu.memory_space<semaphore_mem>>) src(%dma_wait3A_74 : memref<10240x128xf32, #tpu.memory_space<hbm>>) dst(%arg9 : memref<128x128xf32, #tpu.memory_space<vmem>>)
      "tpu.region"() ({
        %run_scoped3A = tpu.sem_alloc : memref<!tpu.dma_semaphore, #tpu.memory_space<semaphore_mem>>
        %dma_start3A_75 = arith.constant 0 : i32
        %dma_start3A_76 = arith.constant 0 : i32
        %dma_start3A_77 = tpu.memref_slice %arg14[%dma_start3A_75, %dma_start3A_76] : memref<10240x128xf32, #tpu.memory_space<vmem_shared>> -> memref<10240x128xf32, #tpu.memory_space<vmem_shared>>
        tpu.enqueue_indirect_dma source(%arg9 : memref<128x128xf32, #tpu.memory_space<vmem>>) target(%dma_start3A_77 : memref<10240x128xf32, #tpu.memory_space<vmem_shared>>) offsets(%arg7 : memref<128xi32, #tpu.memory_space<vmem>>) semaphore(%run_scoped3A : memref<!tpu.dma_semaphore, #tpu.memory_space<semaphore_mem>>) {add = true}
        %dma_wait3A_78 = arith.constant 0 : i32
        %dma_wait3A_79 = arith.constant 0 : i32
        %dma_wait3A_80 = tpu.memref_slice %arg14[%dma_wait3A_78, %dma_wait3A_79] : memref<10240x128xf32, #tpu.memory_space<vmem_shared>> -> memref<10240x128xf32, #tpu.memory_space<vmem_shared>>
        tpu.wait_indirect_dma semaphore(%run_scoped3A : memref<!tpu.dma_semaphore, #tpu.memory_space<semaphore_mem>>) src(%arg9 : memref<128x128xf32, #tpu.memory_space<vmem>>) dst(%dma_wait3A_80 : memref<10240x128xf32, #tpu.memory_space<vmem_shared>>)
        tpu.yield
      }) : () -> ()
    } else {
    }
    %barrier3A_58 = arith.constant 0 : index
    tpu.barrier barrier_id(%barrier3A_58)
    %mul3A_59 = arith.constant 640 : i32
    %mul3A_60 = arith.muli %arg1, %mul3A_59 : i32
    %mul3A_61 = arith.constant 10240 : i32
    %mul3A_62 = arith.muli %arg0, %mul3A_61 : i32
    %mul3A_63 = arith.constant 640 : i32
    %mul3A_64 = arith.muli %arg1, %mul3A_63 : i32
    %add3A_65 = arith.addi %mul3A_62, %mul3A_64 : i32
    "tpu.region"() ({
      %run_scoped3A = tpu.sem_alloc : memref<!tpu.dma_semaphore, #tpu.memory_space<semaphore_mem>>
      %dma_start3A_66 = arith.constant 0 : i32
      %dma_start3A_67 = tpu.memref_slice %arg5[%add3A_65, %dma_start3A_66] : memref<20480x128xf32, #tpu.memory_space<hbm>> -> memref<640x128xf32, #tpu.memory_space<hbm>>
      %dma_start3A_68 = arith.constant 0 : i32
      %dma_start3A_69 = tpu.memref_slice %arg14[%mul3A_60, %dma_start3A_68] : memref<10240x128xf32, #tpu.memory_space<vmem_shared>> -> memref<640x128xf32, #tpu.memory_space<vmem_shared>>
      tpu.enqueue_dma source(%dma_start3A_69 : memref<640x128xf32, #tpu.memory_space<vmem_shared>>) target(%dma_start3A_67 : memref<640x128xf32, #tpu.memory_space<hbm>>) target_semaphore(%run_scoped3A : memref<!tpu.dma_semaphore, #tpu.memory_space<semaphore_mem>>)
      %dma_wait3A = arith.constant 0 : i32
      %dma_wait3A_70 = tpu.memref_slice %arg5[%add3A_65, %dma_wait3A] : memref<20480x128xf32, #tpu.memory_space<hbm>> -> memref<640x128xf32, #tpu.memory_space<hbm>>
      %dma_wait3A_71 = arith.constant 0 : i32
      %dma_wait3A_72 = tpu.memref_slice %arg14[%mul3A_60, %dma_wait3A_71] : memref<10240x128xf32, #tpu.memory_space<vmem_shared>> -> memref<640x128xf32, #tpu.memory_space<vmem_shared>>
      tpu.wait_dma2 semaphore(%run_scoped3A : memref<!tpu.dma_semaphore, #tpu.memory_space<semaphore_mem>>) src(%dma_wait3A_72 : memref<640x128xf32, #tpu.memory_space<vmem_shared>>) dst(%dma_wait3A_70 : memref<640x128xf32, #tpu.memory_space<hbm>>)
      tpu.yield
    }) : () -> ()
    return
  }
}

#map = affine_map<(d0, d1) -> (0, 0)>
#map1 = affine_map<(d0, d1) -> (0)>
module attributes {stable_mosaic.version = 14 : i64} {
  func.func @_sc_scatter(%arg0: i32, %arg1: i32, %arg2: memref<10240x128xf32, #tpu.memory_space<hbm>>, %arg3: memref<320000xi32, #tpu.memory_space<hbm>>, %arg4: memref<320000xi32, #tpu.memory_space<hbm>>, %arg5: memref<20480x128xf32, #tpu.memory_space<hbm>>, %arg6: memref<9984xi32, #tpu.memory_space<vmem>>, %arg7: memref<128xi32, #tpu.memory_space<vmem>>, %arg8: memref<128xi32, #tpu.memory_space<vmem>>, %arg9: memref<128x128xf32, #tpu.memory_space<vmem>>, %arg10: memref<128x128xf32, #tpu.memory_space<vmem>>, %arg11: memref<!tpu.dma_semaphore, #tpu.memory_space<semaphore_mem>>, %arg12: memref<!tpu.dma_semaphore, #tpu.memory_space<semaphore_mem>>, %arg13: memref<!tpu.dma_semaphore, #tpu.memory_space<semaphore_mem>>, %arg14: memref<10240x128xf32, #tpu.memory_space<vmem_shared>>) attributes {dimension_semantics = [#tpu.dimension_semantics<core_parallel>, #tpu.dimension_semantics<subcore_parallel>], iteration_bounds = array<i64: 2, 16>, scalar_prefetch = 0 : i64, scratch_operands = 9 : i64, tpu.core_type = #tpu.core_type<sc_vector_subcore>, window_params = [{transform_indices = #map}, {transform_indices = #map1}, {transform_indices = #map1}, {transform_indices = #map}]} {
    %mul3A = arith.constant 2 : i32
    %mul3A_0 = arith.muli %arg1, %mul3A : i32
    %add3A = arith.addi %mul3A_0, %arg0 : i32
    %mul3A_1 = arith.constant 78 : i32
    %mul3A_2 = arith.muli %add3A, %mul3A_1 : i32
    %min3A = arith.constant 4 : i32
    %min3A_3 = arith.minsi %add3A, %min3A : i32
    %add3A_4 = arith.addi %mul3A_2, %min3A_3 : i32
    %mul3A_5 = arith.constant 128 : i32
    %mul3A_6 = arith.muli %add3A_4, %mul3A_5 : i32
    %broadcast_in_dim3A = arith.constant 0.000000e+00 : f32
    %broadcast_in_dim3A_7 = vector.broadcast %broadcast_in_dim3A : f32 to vector<16xf32>
    %scan3A = arith.constant 0 : i32
    %scan3A_8 = arith.constant 0 : i32
    %scan3A_9 = arith.constant 128 : i32
    %scan3A_10 = arith.addi %scan3A_8, %scan3A_9 : i32
    %scan3A_11 = arith.constant 1 : i32
    scf.for %scan3A_66 = %scan3A_8 to %scan3A_10 step %scan3A_11  : i32 {
      %swap3A = arith.index_cast %scan3A_66 : i32 to index
      %swap3A_67 = arith.constant 0 : index
      %swap3A_68 = tpu.vector_load %arg9[%swap3A, %swap3A_67] {strides = array<i32>} : memref<128x128xf32, #tpu.memory_space<vmem>>, vector<1x16xf32>,
      %swap3A_69 = vector.shape_cast %swap3A_68 : vector<1x16xf32> to vector<16xf32>
      %swap3A_70 = vector.shape_cast %broadcast_in_dim3A_7 : vector<16xf32> to vector<1x16xf32>
      tpu.vector_store %arg9[%swap3A, %swap3A_67], %swap3A_70 {strides = array<i32>} : memref<128x128xf32, #tpu.memory_space<vmem>>, vector<1x16xf32>,
      %swap3A_71 = arith.index_cast %scan3A_66 : i32 to index
      %swap3A_72 = arith.constant 16 : index
      %swap3A_73 = tpu.vector_load %arg9[%swap3A_71, %swap3A_72] {strides = array<i32>} : memref<128x128xf32, #tpu.memory_space<vmem>>, vector<1x16xf32>,
      %swap3A_74 = vector.shape_cast %swap3A_73 : vector<1x16xf32> to vector<16xf32>
      %swap3A_75 = vector.shape_cast %broadcast_in_dim3A_7 : vector<16xf32> to vector<1x16xf32>
      tpu.vector_store %arg9[%swap3A_71, %swap3A_72], %swap3A_75 {strides = array<i32>} : memref<128x128xf32, #tpu.memory_space<vmem>>, vector<1x16xf32>,
      %swap3A_76 = arith.index_cast %scan3A_66 : i32 to index
      %swap3A_77 = arith.constant 32 : index
      %swap3A_78 = tpu.vector_load %arg9[%swap3A_76, %swap3A_77] {strides = array<i32>} : memref<128x128xf32, #tpu.memory_space<vmem>>, vector<1x16xf32>,
      %swap3A_79 = vector.shape_cast %swap3A_78 : vector<1x16xf32> to vector<16xf32>
      %swap3A_80 = vector.shape_cast %broadcast_in_dim3A_7 : vector<16xf32> to vector<1x16xf32>
      tpu.vector_store %arg9[%swap3A_76, %swap3A_77], %swap3A_80 {strides = array<i32>} : memref<128x128xf32, #tpu.memory_space<vmem>>, vector<1x16xf32>,
      %swap3A_81 = arith.index_cast %scan3A_66 : i32 to index
      %swap3A_82 = arith.constant 48 : index
      %swap3A_83 = tpu.vector_load %arg9[%swap3A_81, %swap3A_82] {strides = array<i32>} : memref<128x128xf32, #tpu.memory_space<vmem>>, vector<1x16xf32>,
      %swap3A_84 = vector.shape_cast %swap3A_83 : vector<1x16xf32> to vector<16xf32>
      %swap3A_85 = vector.shape_cast %broadcast_in_dim3A_7 : vector<16xf32> to vector<1x16xf32>
      tpu.vector_store %arg9[%swap3A_81, %swap3A_82], %swap3A_85 {strides = array<i32>} : memref<128x128xf32, #tpu.memory_space<vmem>>, vector<1x16xf32>,
      %swap3A_86 = arith.index_cast %scan3A_66 : i32 to index
      %swap3A_87 = arith.constant 64 : index
      %swap3A_88 = tpu.vector_load %arg9[%swap3A_86, %swap3A_87] {strides = array<i32>} : memref<128x128xf32, #tpu.memory_space<vmem>>, vector<1x16xf32>,
      %swap3A_89 = vector.shape_cast %swap3A_88 : vector<1x16xf32> to vector<16xf32>
      %swap3A_90 = vector.shape_cast %broadcast_in_dim3A_7 : vector<16xf32> to vector<1x16xf32>
      tpu.vector_store %arg9[%swap3A_86, %swap3A_87], %swap3A_90 {strides = array<i32>} : memref<128x128xf32, #tpu.memory_space<vmem>>, vector<1x16xf32>,
      %swap3A_91 = arith.index_cast %scan3A_66 : i32 to index
      %swap3A_92 = arith.constant 80 : index
      %swap3A_93 = tpu.vector_load %arg9[%swap3A_91, %swap3A_92] {strides = array<i32>} : memref<128x128xf32, #tpu.memory_space<vmem>>, vector<1x16xf32>,
      %swap3A_94 = vector.shape_cast %swap3A_93 : vector<1x16xf32> to vector<16xf32>
      %swap3A_95 = vector.shape_cast %broadcast_in_dim3A_7 : vector<16xf32> to vector<1x16xf32>
      tpu.vector_store %arg9[%swap3A_91, %swap3A_92], %swap3A_95 {strides = array<i32>} : memref<128x128xf32, #tpu.memory_space<vmem>>, vector<1x16xf32>,
      %swap3A_96 = arith.index_cast %scan3A_66 : i32 to index
      %swap3A_97 = arith.constant 96 : index
      %swap3A_98 = tpu.vector_load %arg9[%swap3A_96, %swap3A_97] {strides = array<i32>} : memref<128x128xf32, #tpu.memory_space<vmem>>, vector<1x16xf32>,
      %swap3A_99 = vector.shape_cast %swap3A_98 : vector<1x16xf32> to vector<16xf32>
      %swap3A_100 = vector.shape_cast %broadcast_in_dim3A_7 : vector<16xf32> to vector<1x16xf32>
      tpu.vector_store %arg9[%swap3A_96, %swap3A_97], %swap3A_100 {strides = array<i32>} : memref<128x128xf32, #tpu.memory_space<vmem>>, vector<1x16xf32>,
      %swap3A_101 = arith.index_cast %scan3A_66 : i32 to index
      %swap3A_102 = arith.constant 112 : index
      %swap3A_103 = tpu.vector_load %arg9[%swap3A_101, %swap3A_102] {strides = array<i32>} : memref<128x128xf32, #tpu.memory_space<vmem>>, vector<1x16xf32>,
      %swap3A_104 = vector.shape_cast %swap3A_103 : vector<1x16xf32> to vector<16xf32>
      %swap3A_105 = vector.shape_cast %broadcast_in_dim3A_7 : vector<16xf32> to vector<1x16xf32>
      tpu.vector_store %arg9[%swap3A_101, %swap3A_102], %swap3A_105 {strides = array<i32>} : memref<128x128xf32, #tpu.memory_space<vmem>>, vector<1x16xf32>,
    }
    %scan3A_12 = arith.constant 128 : i32
    %mul3A_13 = arith.constant 640 : i32
    %mul3A_14 = arith.muli %arg1, %mul3A_13 : i32
    %add3A_15 = arith.constant 0 : i32
    %add3A_16 = arith.addi %mul3A_14, %add3A_15 : i32
    "tpu.region"() ({
      %run_scoped3A = tpu.sem_alloc : memref<!tpu.dma_semaphore, #tpu.memory_space<semaphore_mem>>
      %dma_start3A_66 = arith.constant 0 : i32
      %dma_start3A_67 = tpu.memref_slice %arg14[%add3A_16, %dma_start3A_66] : memref<10240x128xf32, #tpu.memory_space<vmem_shared>> -> memref<128x128xf32, #tpu.memory_space<vmem_shared>>
      %dma_start3A_68 = arith.constant 0 : i32
      %dma_start3A_69 = tpu.memref_slice %arg14[%add3A_16, %dma_start3A_68] : memref<10240x128xf32, #tpu.memory_space<vmem_shared>> -> memref<128x128xf32, #tpu.memory_space<vmem_shared>>
      tpu.enqueue_dma source(%arg9 : memref<128x128xf32, #tpu.memory_space<vmem>>) target(%dma_start3A_69 : memref<128x128xf32, #tpu.memory_space<vmem_shared>>) target_semaphore(%run_scoped3A : memref<!tpu.dma_semaphore, #tpu.memory_space<semaphore_mem>>)
      %dma_wait3A = arith.constant 0 : i32
      %dma_wait3A_70 = tpu.memref_slice %arg14[%add3A_16, %dma_wait3A] : memref<10240x128xf32, #tpu.memory_space<vmem_shared>> -> memref<128x128xf32, #tpu.memory_space<vmem_shared>>
      %dma_wait3A_71 = arith.constant 0 : i32
      %dma_wait3A_72 = tpu.memref_slice %arg14[%add3A_16, %dma_wait3A_71] : memref<10240x128xf32, #tpu.memory_space<vmem_shared>> -> memref<128x128xf32, #tpu.memory_space<vmem_shared>>
      tpu.wait_dma2 semaphore(%run_scoped3A : memref<!tpu.dma_semaphore, #tpu.memory_space<semaphore_mem>>) src(%arg9 : memref<128x128xf32, #tpu.memory_space<vmem>>) dst(%dma_wait3A_72 : memref<128x128xf32, #tpu.memory_space<vmem_shared>>)
      tpu.yield
    }) : () -> ()
    %mul3A_17 = arith.constant 640 : i32
    %mul3A_18 = arith.muli %arg1, %mul3A_17 : i32
    %add3A_19 = arith.constant 128 : i32
    %add3A_20 = arith.addi %mul3A_18, %add3A_19 : i32
    "tpu.region"() ({
      %run_scoped3A = tpu.sem_alloc : memref<!tpu.dma_semaphore, #tpu.memory_space<semaphore_mem>>
      %dma_start3A_66 = arith.constant 0 : i32
      %dma_start3A_67 = tpu.memref_slice %arg14[%add3A_20, %dma_start3A_66] : memref<10240x128xf32, #tpu.memory_space<vmem_shared>> -> memref<128x128xf32, #tpu.memory_space<vmem_shared>>
      %dma_start3A_68 = arith.constant 0 : i32
      %dma_start3A_69 = tpu.memref_slice %arg14[%add3A_20, %dma_start3A_68] : memref<10240x128xf32, #tpu.memory_space<vmem_shared>> -> memref<128x128xf32, #tpu.memory_space<vmem_shared>>
      tpu.enqueue_dma source(%arg9 : memref<128x128xf32, #tpu.memory_space<vmem>>) target(%dma_start3A_69 : memref<128x128xf32, #tpu.memory_space<vmem_shared>>) target_semaphore(%run_scoped3A : memref<!tpu.dma_semaphore, #tpu.memory_space<semaphore_mem>>)
      %dma_wait3A = arith.constant 0 : i32
      %dma_wait3A_70 = tpu.memref_slice %arg14[%add3A_20, %dma_wait3A] : memref<10240x128xf32, #tpu.memory_space<vmem_shared>> -> memref<128x128xf32, #tpu.memory_space<vmem_shared>>
      %dma_wait3A_71 = arith.constant 0 : i32
      %dma_wait3A_72 = tpu.memref_slice %arg14[%add3A_20, %dma_wait3A_71] : memref<10240x128xf32, #tpu.memory_space<vmem_shared>> -> memref<128x128xf32, #tpu.memory_space<vmem_shared>>
      tpu.wait_dma2 semaphore(%run_scoped3A : memref<!tpu.dma_semaphore, #tpu.memory_space<semaphore_mem>>) src(%arg9 : memref<128x128xf32, #tpu.memory_space<vmem>>) dst(%dma_wait3A_72 : memref<128x128xf32, #tpu.memory_space<vmem_shared>>)
      tpu.yield
    }) : () -> ()
    %mul3A_21 = arith.constant 640 : i32
    %mul3A_22 = arith.muli %arg1, %mul3A_21 : i32
    %add3A_23 = arith.constant 256 : i32
    %add3A_24 = arith.addi %mul3A_22, %add3A_23 : i32
    "tpu.region"() ({
      %run_scoped3A = tpu.sem_alloc : memref<!tpu.dma_semaphore, #tpu.memory_space<semaphore_mem>>
      %dma_start3A_66 = arith.constant 0 : i32
      %dma_start3A_67 = tpu.memref_slice %arg14[%add3A_24, %dma_start3A_66] : memref<10240x128xf32, #tpu.memory_space<vmem_shared>> -> memref<128x128xf32, #tpu.memory_space<vmem_shared>>
      %dma_start3A_68 = arith.constant 0 : i32
      %dma_start3A_69 = tpu.memref_slice %arg14[%add3A_24, %dma_start3A_68] : memref<10240x128xf32, #tpu.memory_space<vmem_shared>> -> memref<128x128xf32, #tpu.memory_space<vmem_shared>>
      tpu.enqueue_dma source(%arg9 : memref<128x128xf32, #tpu.memory_space<vmem>>) target(%dma_start3A_69 : memref<128x128xf32, #tpu.memory_space<vmem_shared>>) target_semaphore(%run_scoped3A : memref<!tpu.dma_semaphore, #tpu.memory_space<semaphore_mem>>)
      %dma_wait3A = arith.constant 0 : i32
      %dma_wait3A_70 = tpu.memref_slice %arg14[%add3A_24, %dma_wait3A] : memref<10240x128xf32, #tpu.memory_space<vmem_shared>> -> memref<128x128xf32, #tpu.memory_space<vmem_shared>>
      %dma_wait3A_71 = arith.constant 0 : i32
      %dma_wait3A_72 = tpu.memref_slice %arg14[%add3A_24, %dma_wait3A_71] : memref<10240x128xf32, #tpu.memory_space<vmem_shared>> -> memref<128x128xf32, #tpu.memory_space<vmem_shared>>
      tpu.wait_dma2 semaphore(%run_scoped3A : memref<!tpu.dma_semaphore, #tpu.memory_space<semaphore_mem>>) src(%arg9 : memref<128x128xf32, #tpu.memory_space<vmem>>) dst(%dma_wait3A_72 : memref<128x128xf32, #tpu.memory_space<vmem_shared>>)
      tpu.yield
    }) : () -> ()
    %mul3A_25 = arith.constant 640 : i32
    %mul3A_26 = arith.muli %arg1, %mul3A_25 : i32
    %add3A_27 = arith.constant 384 : i32
    %add3A_28 = arith.addi %mul3A_26, %add3A_27 : i32
    "tpu.region"() ({
      %run_scoped3A = tpu.sem_alloc : memref<!tpu.dma_semaphore, #tpu.memory_space<semaphore_mem>>
      %dma_start3A_66 = arith.constant 0 : i32
      %dma_start3A_67 = tpu.memref_slice %arg14[%add3A_28, %dma_start3A_66] : memref<10240x128xf32, #tpu.memory_space<vmem_shared>> -> memref<128x128xf32, #tpu.memory_space<vmem_shared>>
      %dma_start3A_68 = arith.constant 0 : i32
      %dma_start3A_69 = tpu.memref_slice %arg14[%add3A_28, %dma_start3A_68] : memref<10240x128xf32, #tpu.memory_space<vmem_shared>> -> memref<128x128xf32, #tpu.memory_space<vmem_shared>>
      tpu.enqueue_dma source(%arg9 : memref<128x128xf32, #tpu.memory_space<vmem>>) target(%dma_start3A_69 : memref<128x128xf32, #tpu.memory_space<vmem_shared>>) target_semaphore(%run_scoped3A : memref<!tpu.dma_semaphore, #tpu.memory_space<semaphore_mem>>)
      %dma_wait3A = arith.constant 0 : i32
      %dma_wait3A_70 = tpu.memref_slice %arg14[%add3A_28, %dma_wait3A] : memref<10240x128xf32, #tpu.memory_space<vmem_shared>> -> memref<128x128xf32, #tpu.memory_space<vmem_shared>>
      %dma_wait3A_71 = arith.constant 0 : i32
      %dma_wait3A_72 = tpu.memref_slice %arg14[%add3A_28, %dma_wait3A_71] : memref<10240x128xf32, #tpu.memory_space<vmem_shared>> -> memref<128x128xf32, #tpu.memory_space<vmem_shared>>
      tpu.wait_dma2 semaphore(%run_scoped3A : memref<!tpu.dma_semaphore, #tpu.memory_space<semaphore_mem>>) src(%arg9 : memref<128x128xf32, #tpu.memory_space<vmem>>) dst(%dma_wait3A_72 : memref<128x128xf32, #tpu.memory_space<vmem_shared>>)
      tpu.yield
    }) : () -> ()
    %mul3A_29 = arith.constant 640 : i32
    %mul3A_30 = arith.muli %arg1, %mul3A_29 : i32
    %add3A_31 = arith.constant 512 : i32
    %add3A_32 = arith.addi %mul3A_30, %add3A_31 : i32
    "tpu.region"() ({
      %run_scoped3A = tpu.sem_alloc : memref<!tpu.dma_semaphore, #tpu.memory_space<semaphore_mem>>
      %dma_start3A_66 = arith.constant 0 : i32
      %dma_start3A_67 = tpu.memref_slice %arg14[%add3A_32, %dma_start3A_66] : memref<10240x128xf32, #tpu.memory_space<vmem_shared>> -> memref<128x128xf32, #tpu.memory_space<vmem_shared>>
      %dma_start3A_68 = arith.constant 0 : i32
      %dma_start3A_69 = tpu.memref_slice %arg14[%add3A_32, %dma_start3A_68] : memref<10240x128xf32, #tpu.memory_space<vmem_shared>> -> memref<128x128xf32, #tpu.memory_space<vmem_shared>>
      tpu.enqueue_dma source(%arg9 : memref<128x128xf32, #tpu.memory_space<vmem>>) target(%dma_start3A_69 : memref<128x128xf32, #tpu.memory_space<vmem_shared>>) target_semaphore(%run_scoped3A : memref<!tpu.dma_semaphore, #tpu.memory_space<semaphore_mem>>)
      %dma_wait3A = arith.constant 0 : i32
      %dma_wait3A_70 = tpu.memref_slice %arg14[%add3A_32, %dma_wait3A] : memref<10240x128xf32, #tpu.memory_space<vmem_shared>> -> memref<128x128xf32, #tpu.memory_space<vmem_shared>>
      %dma_wait3A_71 = arith.constant 0 : i32
      %dma_wait3A_72 = tpu.memref_slice %arg14[%add3A_32, %dma_wait3A_71] : memref<10240x128xf32, #tpu.memory_space<vmem_shared>> -> memref<128x128xf32, #tpu.memory_space<vmem_shared>>
      tpu.wait_dma2 semaphore(%run_scoped3A : memref<!tpu.dma_semaphore, #tpu.memory_space<semaphore_mem>>) src(%arg9 : memref<128x128xf32, #tpu.memory_space<vmem>>) dst(%dma_wait3A_72 : memref<128x128xf32, #tpu.memory_space<vmem_shared>>)
      tpu.yield
    }) : () -> ()
    "tpu.region"() ({
      %run_scoped3A = tpu.sem_alloc : memref<!tpu.dma_semaphore, #tpu.memory_space<semaphore_mem>>
      %dma_start3A_66 = tpu.memref_slice %arg3[%mul3A_6] : memref<320000xi32, #tpu.memory_space<hbm>> -> memref<9984xi32, #tpu.memory_space<hbm>>
      %dma_start3A_67 = tpu.memref_slice %arg3[%mul3A_6] : memref<320000xi32, #tpu.memory_space<hbm>> -> memref<9984xi32, #tpu.memory_space<hbm>>
      tpu.enqueue_dma source(%dma_start3A_67 : memref<9984xi32, #tpu.memory_space<hbm>>) target(%arg6 : memref<9984xi32, #tpu.memory_space<vmem>>) target_semaphore(%run_scoped3A : memref<!tpu.dma_semaphore, #tpu.memory_space<semaphore_mem>>)
      %dma_wait3A = tpu.memref_slice %arg3[%mul3A_6] : memref<320000xi32, #tpu.memory_space<hbm>> -> memref<9984xi32, #tpu.memory_space<hbm>>
      %dma_wait3A_68 = tpu.memref_slice %arg3[%mul3A_6] : memref<320000xi32, #tpu.memory_space<hbm>> -> memref<9984xi32, #tpu.memory_space<hbm>>
      tpu.wait_dma2 semaphore(%run_scoped3A : memref<!tpu.dma_semaphore, #tpu.memory_space<semaphore_mem>>) src(%dma_wait3A_68 : memref<9984xi32, #tpu.memory_space<hbm>>) dst(%arg6 : memref<9984xi32, #tpu.memory_space<vmem>>)
      tpu.yield
    }) : () -> ()
    %barrier3A = arith.constant 0 : index
    tpu.barrier barrier_id(%barrier3A)
    %add3A_33 = arith.constant 0 : i32
    %add3A_34 = arith.addi %mul3A_6, %add3A_33 : i32
    %dma_start3A = tpu.memref_slice %arg4[%add3A_34] : memref<320000xi32, #tpu.memory_space<hbm>> -> memref<128xi32, #tpu.memory_space<hbm>>
    %dma_start3A_35 = tpu.memref_slice %arg4[%add3A_34] : memref<320000xi32, #tpu.memory_space<hbm>> -> memref<128xi32, #tpu.memory_space<hbm>>
    tpu.enqueue_dma source(%dma_start3A_35 : memref<128xi32, #tpu.memory_space<hbm>>) target(%arg7 : memref<128xi32, #tpu.memory_space<vmem>>) target_semaphore(%arg11 : memref<!tpu.dma_semaphore, #tpu.memory_space<semaphore_mem>>)
    %dma_start3A_36 = arith.constant 0 : i32
    %dma_start3A_37 = tpu.memref_slice %arg6[%dma_start3A_36] : memref<9984xi32, #tpu.memory_space<vmem>> -> memref<128xi32, #tpu.memory_space<vmem>>
    %dma_start3A_38 = arith.constant 0 : i32
    %dma_start3A_39 = arith.constant 0 : i32
    %dma_start3A_40 = tpu.memref_slice %arg2[%dma_start3A_38, %dma_start3A_39] : memref<10240x128xf32, #tpu.memory_space<hbm>> -> memref<10240x128xf32, #tpu.memory_space<hbm>>
    tpu.enqueue_indirect_dma source(%dma_start3A_40 : memref<10240x128xf32, #tpu.memory_space<hbm>>) target(%arg9 : memref<128x128xf32, #tpu.memory_space<vmem>>) offsets(%dma_start3A_37 : memref<128xi32, #tpu.memory_space<vmem>>) semaphore(%arg13 : memref<!tpu.dma_semaphore, #tpu.memory_space<semaphore_mem>>)
    %add3A_41 = arith.constant 128 : i32
    %add3A_42 = arith.addi %mul3A_6, %add3A_41 : i32
    %dma_start3A_43 = tpu.memref_slice %arg4[%add3A_42] : memref<320000xi32, #tpu.memory_space<hbm>> -> memref<128xi32, #tpu.memory_space<hbm>>
    %dma_start3A_44 = tpu.memref_slice %arg4[%add3A_42] : memref<320000xi32, #tpu.memory_space<hbm>> -> memref<128xi32, #tpu.memory_space<hbm>>
    tpu.enqueue_dma source(%dma_start3A_44 : memref<128xi32, #tpu.memory_space<hbm>>) target(%arg8 : memref<128xi32, #tpu.memory_space<vmem>>) target_semaphore(%arg12 : memref<!tpu.dma_semaphore, #tpu.memory_space<semaphore_mem>>)
    %dma_start3A_45 = arith.constant 128 : i32
    %dma_start3A_46 = tpu.memref_slice %arg6[%dma_start3A_45] : memref<9984xi32, #tpu.memory_space<vmem>> -> memref<128xi32, #tpu.memory_space<vmem>>
    %dma_start3A_47 = arith.constant 0 : i32
    %dma_start3A_48 = arith.constant 0 : i32
    %dma_start3A_49 = tpu.memref_slice %arg2[%dma_start3A_47, %dma_start3A_48] : memref<10240x128xf32, #tpu.memory_space<hbm>> -> memref<10240x128xf32, #tpu.memory_space<hbm>>
    tpu.enqueue_indirect_dma source(%dma_start3A_49 : memref<10240x128xf32, #tpu.memory_space<hbm>>) target(%arg10 : memref<128x128xf32, #tpu.memory_space<vmem>>) offsets(%dma_start3A_46 : memref<128xi32, #tpu.memory_space<vmem>>) semaphore(%arg13 : memref<!tpu.dma_semaphore, #tpu.memory_space<semaphore_mem>>)
    %scan3A_50 = arith.constant 0 : i32
    %scan3A_51 = arith.constant 0 : i32
    %scan3A_52 = arith.constant 39 : i32
    %scan3A_53 = arith.addi %scan3A_51, %scan3A_52 : i32
    %scan3A_54 = arith.constant 1 : i32
    scf.for %scan3A_66 = %scan3A_51 to %scan3A_53 step %scan3A_54  : i32 {
      %mul3A_67 = arith.constant 2 : i32
      %mul3A_68 = arith.muli %scan3A_66, %mul3A_67 : i32
      %add3A_69 = arith.constant 0 : i32
      %add3A_70 = arith.addi %mul3A_68, %add3A_69 : i32
      %dma_wait3A = arith.constant 0 : i32
      %dma_wait3A_71 = tpu.memref_slice %arg4[%dma_wait3A] : memref<320000xi32, #tpu.memory_space<hbm>> -> memref<128xi32, #tpu.memory_space<hbm>>
      %dma_wait3A_72 = arith.constant 0 : i32
      %dma_wait3A_73 = tpu.memref_slice %arg4[%dma_wait3A_72] : memref<320000xi32, #tpu.memory_space<hbm>> -> memref<128xi32, #tpu.memory_space<hbm>>
      tpu.wait_dma2 semaphore(%arg11 : memref<!tpu.dma_semaphore, #tpu.memory_space<semaphore_mem>>) src(%dma_wait3A_73 : memref<128xi32, #tpu.memory_space<hbm>>) dst(%arg7 : memref<128xi32, #tpu.memory_space<vmem>>)
      %dma_wait3A_74 = arith.constant 0 : i32
      %dma_wait3A_75 = arith.constant 0 : i32
      %dma_wait3A_76 = tpu.memref_slice %arg2[%dma_wait3A_74, %dma_wait3A_75] : memref<10240x128xf32, #tpu.memory_space<hbm>> -> memref<128x128xf32, #tpu.memory_space<hbm>>
      %dma_wait3A_77 = arith.constant 0 : i32
      %dma_wait3A_78 = arith.constant 0 : i32
      %dma_wait3A_79 = tpu.memref_slice %arg2[%dma_wait3A_77, %dma_wait3A_78] : memref<10240x128xf32, #tpu.memory_space<hbm>> -> memref<128x128xf32, #tpu.memory_space<hbm>>
      tpu.wait_dma2 semaphore(%arg13 : memref<!tpu.dma_semaphore, #tpu.memory_space<semaphore_mem>>) src(%dma_wait3A_79 : memref<128x128xf32, #tpu.memory_space<hbm>>) dst(%arg9 : memref<128x128xf32, #tpu.memory_space<vmem>>)
      "tpu.region"() ({
        %run_scoped3A = tpu.sem_alloc : memref<!tpu.dma_semaphore, #tpu.memory_space<semaphore_mem>>
        %dma_start3A_104 = arith.constant 0 : i32
        %dma_start3A_105 = arith.constant 0 : i32
        %dma_start3A_106 = tpu.memref_slice %arg14[%dma_start3A_104, %dma_start3A_105] : memref<10240x128xf32, #tpu.memory_space<vmem_shared>> -> memref<10240x128xf32, #tpu.memory_space<vmem_shared>>
        tpu.enqueue_indirect_dma source(%arg9 : memref<128x128xf32, #tpu.memory_space<vmem>>) target(%dma_start3A_106 : memref<10240x128xf32, #tpu.memory_space<vmem_shared>>) offsets(%arg7 : memref<128xi32, #tpu.memory_space<vmem>>) semaphore(%run_scoped3A : memref<!tpu.dma_semaphore, #tpu.memory_space<semaphore_mem>>) {add = true}
        %dma_wait3A_107 = arith.constant 0 : i32
        %dma_wait3A_108 = arith.constant 0 : i32
        %dma_wait3A_109 = tpu.memref_slice %arg14[%dma_wait3A_107, %dma_wait3A_108] : memref<10240x128xf32, #tpu.memory_space<vmem_shared>> -> memref<10240x128xf32, #tpu.memory_space<vmem_shared>>
        tpu.wait_indirect_dma semaphore(%run_scoped3A : memref<!tpu.dma_semaphore, #tpu.memory_space<semaphore_mem>>) src(%arg9 : memref<128x128xf32, #tpu.memory_space<vmem>>) dst(%dma_wait3A_109 : memref<10240x128xf32, #tpu.memory_space<vmem_shared>>)
        tpu.yield
      }) : () -> ()
      %lt3A_80 = arith.constant 38 : i32
      %lt3A_81 = arith.cmpi slt, %scan3A_66, %lt3A_80 : i32
      %convert_element_type3A_82 = arith.extui %lt3A_81 : i1 to i32
      %cond3A_83 = arith.constant 0 : i32
      %cond3A_84 = arith.cmpi ne, %convert_element_type3A_82, %cond3A_83 : i32
      scf.if %cond3A_84 {
        %add3A_104 = arith.constant 2 : i32
        %add3A_105 = arith.addi %add3A_70, %add3A_104 : i32
        %mul3A_106 = arith.constant 128 : i32
        %mul3A_107 = arith.muli %add3A_105, %mul3A_106 : i32
        %add3A_108 = arith.addi %mul3A_6, %mul3A_107 : i32
        %dma_start3A_109 = tpu.memref_slice %arg4[%add3A_108] : memref<320000xi32, #tpu.memory_space<hbm>> -> memref<128xi32, #tpu.memory_space<hbm>>
        %dma_start3A_110 = tpu.memref_slice %arg4[%add3A_108] : memref<320000xi32, #tpu.memory_space<hbm>> -> memref<128xi32, #tpu.memory_space<hbm>>
        tpu.enqueue_dma source(%dma_start3A_110 : memref<128xi32, #tpu.memory_space<hbm>>) target(%arg7 : memref<128xi32, #tpu.memory_space<vmem>>) target_semaphore(%arg11 : memref<!tpu.dma_semaphore, #tpu.memory_space<semaphore_mem>>)
        %add3A_111 = arith.constant 2 : i32
        %add3A_112 = arith.addi %add3A_70, %add3A_111 : i32
        %mul3A_113 = arith.constant 128 : i32
        %mul3A_114 = arith.muli %add3A_112, %mul3A_113 : i32
        %dma_start3A_115 = tpu.memref_slice %arg6[%mul3A_114] : memref<9984xi32, #tpu.memory_space<vmem>> -> memref<128xi32, #tpu.memory_space<vmem>>
        %dma_start3A_116 = arith.constant 0 : i32
        %dma_start3A_117 = arith.constant 0 : i32
        %dma_start3A_118 = tpu.memref_slice %arg2[%dma_start3A_116, %dma_start3A_117] : memref<10240x128xf32, #tpu.memory_space<hbm>> -> memref<10240x128xf32, #tpu.memory_space<hbm>>
        tpu.enqueue_indirect_dma source(%dma_start3A_118 : memref<10240x128xf32, #tpu.memory_space<hbm>>) target(%arg9 : memref<128x128xf32, #tpu.memory_space<vmem>>) offsets(%dma_start3A_115 : memref<128xi32, #tpu.memory_space<vmem>>) semaphore(%arg13 : memref<!tpu.dma_semaphore, #tpu.memory_space<semaphore_mem>>)
      } else {
      }
      %mul3A_85 = arith.constant 2 : i32
      %mul3A_86 = arith.muli %scan3A_66, %mul3A_85 : i32
      %add3A_87 = arith.constant 1 : i32
      %add3A_88 = arith.addi %mul3A_86, %add3A_87 : i32
      %dma_wait3A_89 = arith.constant 0 : i32
      %dma_wait3A_90 = tpu.memref_slice %arg4[%dma_wait3A_89] : memref<320000xi32, #tpu.memory_space<hbm>> -> memref<128xi32, #tpu.memory_space<hbm>>
      %dma_wait3A_91 = arith.constant 0 : i32
      %dma_wait3A_92 = tpu.memref_slice %arg4[%dma_wait3A_91] : memref<320000xi32, #tpu.memory_space<hbm>> -> memref<128xi32, #tpu.memory_space<hbm>>
      tpu.wait_dma2 semaphore(%arg12 : memref<!tpu.dma_semaphore, #tpu.memory_space<semaphore_mem>>) src(%dma_wait3A_92 : memref<128xi32, #tpu.memory_space<hbm>>) dst(%arg8 : memref<128xi32, #tpu.memory_space<vmem>>)
      %dma_wait3A_93 = arith.constant 0 : i32
      %dma_wait3A_94 = arith.constant 0 : i32
      %dma_wait3A_95 = tpu.memref_slice %arg2[%dma_wait3A_93, %dma_wait3A_94] : memref<10240x128xf32, #tpu.memory_space<hbm>> -> memref<128x128xf32, #tpu.memory_space<hbm>>
      %dma_wait3A_96 = arith.constant 0 : i32
      %dma_wait3A_97 = arith.constant 0 : i32
      %dma_wait3A_98 = tpu.memref_slice %arg2[%dma_wait3A_96, %dma_wait3A_97] : memref<10240x128xf32, #tpu.memory_space<hbm>> -> memref<128x128xf32, #tpu.memory_space<hbm>>
      tpu.wait_dma2 semaphore(%arg13 : memref<!tpu.dma_semaphore, #tpu.memory_space<semaphore_mem>>) src(%dma_wait3A_98 : memref<128x128xf32, #tpu.memory_space<hbm>>) dst(%arg10 : memref<128x128xf32, #tpu.memory_space<vmem>>)
      "tpu.region"() ({
        %run_scoped3A = tpu.sem_alloc : memref<!tpu.dma_semaphore, #tpu.memory_space<semaphore_mem>>
        %dma_start3A_104 = arith.constant 0 : i32
        %dma_start3A_105 = arith.constant 0 : i32
        %dma_start3A_106 = tpu.memref_slice %arg14[%dma_start3A_104, %dma_start3A_105] : memref<10240x128xf32, #tpu.memory_space<vmem_shared>> -> memref<10240x128xf32, #tpu.memory_space<vmem_shared>>
        tpu.enqueue_indirect_dma source(%arg10 : memref<128x128xf32, #tpu.memory_space<vmem>>) target(%dma_start3A_106 : memref<10240x128xf32, #tpu.memory_space<vmem_shared>>) offsets(%arg8 : memref<128xi32, #tpu.memory_space<vmem>>) semaphore(%run_scoped3A : memref<!tpu.dma_semaphore, #tpu.memory_space<semaphore_mem>>) {add = true}
        %dma_wait3A_107 = arith.constant 0 : i32
        %dma_wait3A_108 = arith.constant 0 : i32
        %dma_wait3A_109 = tpu.memref_slice %arg14[%dma_wait3A_107, %dma_wait3A_108] : memref<10240x128xf32, #tpu.memory_space<vmem_shared>> -> memref<10240x128xf32, #tpu.memory_space<vmem_shared>>
        tpu.wait_indirect_dma semaphore(%run_scoped3A : memref<!tpu.dma_semaphore, #tpu.memory_space<semaphore_mem>>) src(%arg10 : memref<128x128xf32, #tpu.memory_space<vmem>>) dst(%dma_wait3A_109 : memref<10240x128xf32, #tpu.memory_space<vmem_shared>>)
        tpu.yield
      }) : () -> ()
      %lt3A_99 = arith.constant 38 : i32
      %lt3A_100 = arith.cmpi slt, %scan3A_66, %lt3A_99 : i32
      %convert_element_type3A_101 = arith.extui %lt3A_100 : i1 to i32
      %cond3A_102 = arith.constant 0 : i32
      %cond3A_103 = arith.cmpi ne, %convert_element_type3A_101, %cond3A_102 : i32
      scf.if %cond3A_103 {
        %add3A_104 = arith.constant 2 : i32
        %add3A_105 = arith.addi %add3A_88, %add3A_104 : i32
        %mul3A_106 = arith.constant 128 : i32
        %mul3A_107 = arith.muli %add3A_105, %mul3A_106 : i32
        %add3A_108 = arith.addi %mul3A_6, %mul3A_107 : i32
        %dma_start3A_109 = tpu.memref_slice %arg4[%add3A_108] : memref<320000xi32, #tpu.memory_space<hbm>> -> memref<128xi32, #tpu.memory_space<hbm>>
        %dma_start3A_110 = tpu.memref_slice %arg4[%add3A_108] : memref<320000xi32, #tpu.memory_space<hbm>> -> memref<128xi32, #tpu.memory_space<hbm>>
        tpu.enqueue_dma source(%dma_start3A_110 : memref<128xi32, #tpu.memory_space<hbm>>) target(%arg8 : memref<128xi32, #tpu.memory_space<vmem>>) target_semaphore(%arg12 : memref<!tpu.dma_semaphore, #tpu.memory_space<semaphore_mem>>)
        %add3A_111 = arith.constant 2 : i32
        %add3A_112 = arith.addi %add3A_88, %add3A_111 : i32
        %mul3A_113 = arith.constant 128 : i32
        %mul3A_114 = arith.muli %add3A_112, %mul3A_113 : i32
        %dma_start3A_115 = tpu.memref_slice %arg6[%mul3A_114] : memref<9984xi32, #tpu.memory_space<vmem>> -> memref<128xi32, #tpu.memory_space<vmem>>
        %dma_start3A_116 = arith.constant 0 : i32
        %dma_start3A_117 = arith.constant 0 : i32
        %dma_start3A_118 = tpu.memref_slice %arg2[%dma_start3A_116, %dma_start3A_117] : memref<10240x128xf32, #tpu.memory_space<hbm>> -> memref<10240x128xf32, #tpu.memory_space<hbm>>
        tpu.enqueue_indirect_dma source(%dma_start3A_118 : memref<10240x128xf32, #tpu.memory_space<hbm>>) target(%arg10 : memref<128x128xf32, #tpu.memory_space<vmem>>) offsets(%dma_start3A_115 : memref<128xi32, #tpu.memory_space<vmem>>) semaphore(%arg13 : memref<!tpu.dma_semaphore, #tpu.memory_space<semaphore_mem>>)
      } else {
      }
    }
    %scan3A_55 = arith.constant 39 : i32
    %lt3A = arith.constant 4 : i32
    %lt3A_56 = arith.cmpi slt, %add3A, %lt3A : i32
    %convert_element_type3A = arith.extui %lt3A_56 : i1 to i32
    %cond3A = arith.constant 0 : i32
    %cond3A_57 = arith.cmpi ne, %convert_element_type3A, %cond3A : i32
    scf.if %cond3A_57 {
      %add3A_66 = arith.constant 9984 : i32
      %add3A_67 = arith.addi %mul3A_6, %add3A_66 : i32
      "tpu.region"() ({
        %run_scoped3A = tpu.sem_alloc : memref<!tpu.dma_semaphore, #tpu.memory_space<semaphore_mem>>
        %dma_start3A_75 = tpu.memref_slice %arg4[%add3A_67] : memref<320000xi32, #tpu.memory_space<hbm>> -> memref<128xi32, #tpu.memory_space<hbm>>
        %dma_start3A_76 = tpu.memref_slice %arg4[%add3A_67] : memref<320000xi32, #tpu.memory_space<hbm>> -> memref<128xi32, #tpu.memory_space<hbm>>
        tpu.enqueue_dma source(%dma_start3A_76 : memref<128xi32, #tpu.memory_space<hbm>>) target(%arg7 : memref<128xi32, #tpu.memory_space<vmem>>) target_semaphore(%run_scoped3A : memref<!tpu.dma_semaphore, #tpu.memory_space<semaphore_mem>>)
        %dma_wait3A_77 = tpu.memref_slice %arg4[%add3A_67] : memref<320000xi32, #tpu.memory_space<hbm>> -> memref<128xi32, #tpu.memory_space<hbm>>
        %dma_wait3A_78 = tpu.memref_slice %arg4[%add3A_67] : memref<320000xi32, #tpu.memory_space<hbm>> -> memref<128xi32, #tpu.memory_space<hbm>>
        tpu.wait_dma2 semaphore(%run_scoped3A : memref<!tpu.dma_semaphore, #tpu.memory_space<semaphore_mem>>) src(%dma_wait3A_78 : memref<128xi32, #tpu.memory_space<hbm>>) dst(%arg7 : memref<128xi32, #tpu.memory_space<vmem>>)
        tpu.yield
      }) : () -> ()
      %add3A_68 = arith.constant 9984 : i32
      %add3A_69 = arith.addi %mul3A_6, %add3A_68 : i32
      "tpu.region"() ({
        %run_scoped3A = tpu.sem_alloc : memref<!tpu.dma_semaphore, #tpu.memory_space<semaphore_mem>>
        %dma_start3A_75 = tpu.memref_slice %arg3[%add3A_69] : memref<320000xi32, #tpu.memory_space<hbm>> -> memref<128xi32, #tpu.memory_space<hbm>>
        %dma_start3A_76 = tpu.memref_slice %arg3[%add3A_69] : memref<320000xi32, #tpu.memory_space<hbm>> -> memref<128xi32, #tpu.memory_space<hbm>>
        tpu.enqueue_dma source(%dma_start3A_76 : memref<128xi32, #tpu.memory_space<hbm>>) target(%arg8 : memref<128xi32, #tpu.memory_space<vmem>>) target_semaphore(%run_scoped3A : memref<!tpu.dma_semaphore, #tpu.memory_space<semaphore_mem>>)
        %dma_wait3A_77 = tpu.memref_slice %arg3[%add3A_69] : memref<320000xi32, #tpu.memory_space<hbm>> -> memref<128xi32, #tpu.memory_space<hbm>>
        %dma_wait3A_78 = tpu.memref_slice %arg3[%add3A_69] : memref<320000xi32, #tpu.memory_space<hbm>> -> memref<128xi32, #tpu.memory_space<hbm>>
        tpu.wait_dma2 semaphore(%run_scoped3A : memref<!tpu.dma_semaphore, #tpu.memory_space<semaphore_mem>>) src(%dma_wait3A_78 : memref<128xi32, #tpu.memory_space<hbm>>) dst(%arg8 : memref<128xi32, #tpu.memory_space<vmem>>)
        tpu.yield
      }) : () -> ()
      %dma_start3A_70 = arith.constant 0 : i32
      %dma_start3A_71 = arith.constant 0 : i32
      %dma_start3A_72 = tpu.memref_slice %arg2[%dma_start3A_70, %dma_start3A_71] : memref<10240x128xf32, #tpu.memory_space<hbm>> -> memref<10240x128xf32, #tpu.memory_space<hbm>>
      tpu.enqueue_indirect_dma source(%dma_start3A_72 : memref<10240x128xf32, #tpu.memory_space<hbm>>) target(%arg9 : memref<128x128xf32, #tpu.memory_space<vmem>>) offsets(%arg8 : memref<128xi32, #tpu.memory_space<vmem>>) semaphore(%arg13 : memref<!tpu.dma_semaphore, #tpu.memory_space<semaphore_mem>>)
      %dma_wait3A = arith.constant 0 : i32
      %dma_wait3A_73 = arith.constant 0 : i32
      %dma_wait3A_74 = tpu.memref_slice %arg2[%dma_wait3A, %dma_wait3A_73] : memref<10240x128xf32, #tpu.memory_space<hbm>> -> memref<10240x128xf32, #tpu.memory_space<hbm>>
      tpu.wait_indirect_dma semaphore(%arg13 : memref<!tpu.dma_semaphore, #tpu.memory_space<semaphore_mem>>) src(%dma_wait3A_74 : memref<10240x128xf32, #tpu.memory_space<hbm>>) dst(%arg9 : memref<128x128xf32, #tpu.memory_space<vmem>>)
      "tpu.region"() ({
        %run_scoped3A = tpu.sem_alloc : memref<!tpu.dma_semaphore, #tpu.memory_space<semaphore_mem>>
        %dma_start3A_75 = arith.constant 0 : i32
        %dma_start3A_76 = arith.constant 0 : i32
        %dma_start3A_77 = tpu.memref_slice %arg14[%dma_start3A_75, %dma_start3A_76] : memref<10240x128xf32, #tpu.memory_space<vmem_shared>> -> memref<10240x128xf32, #tpu.memory_space<vmem_shared>>
        tpu.enqueue_indirect_dma source(%arg9 : memref<128x128xf32, #tpu.memory_space<vmem>>) target(%dma_start3A_77 : memref<10240x128xf32, #tpu.memory_space<vmem_shared>>) offsets(%arg7 : memref<128xi32, #tpu.memory_space<vmem>>) semaphore(%run_scoped3A : memref<!tpu.dma_semaphore, #tpu.memory_space<semaphore_mem>>) {add = true}
        %dma_wait3A_78 = arith.constant 0 : i32
        %dma_wait3A_79 = arith.constant 0 : i32
        %dma_wait3A_80 = tpu.memref_slice %arg14[%dma_wait3A_78, %dma_wait3A_79] : memref<10240x128xf32, #tpu.memory_space<vmem_shared>> -> memref<10240x128xf32, #tpu.memory_space<vmem_shared>>
        tpu.wait_indirect_dma semaphore(%run_scoped3A : memref<!tpu.dma_semaphore, #tpu.memory_space<semaphore_mem>>) src(%arg9 : memref<128x128xf32, #tpu.memory_space<vmem>>) dst(%dma_wait3A_80 : memref<10240x128xf32, #tpu.memory_space<vmem_shared>>)
        tpu.yield
      }) : () -> ()
    } else {
    }
    %barrier3A_58 = arith.constant 0 : index
    tpu.barrier barrier_id(%barrier3A_58)
    %mul3A_59 = arith.constant 640 : i32
    %mul3A_60 = arith.muli %arg1, %mul3A_59 : i32
    %mul3A_61 = arith.constant 10240 : i32
    %mul3A_62 = arith.muli %arg0, %mul3A_61 : i32
    %mul3A_63 = arith.constant 640 : i32
    %mul3A_64 = arith.muli %arg1, %mul3A_63 : i32
    %add3A_65 = arith.addi %mul3A_62, %mul3A_64 : i32
    "tpu.region"() ({
      %run_scoped3A = tpu.sem_alloc : memref<!tpu.dma_semaphore, #tpu.memory_space<semaphore_mem>>
      %dma_start3A_66 = arith.constant 0 : i32
      %dma_start3A_67 = tpu.memref_slice %arg5[%add3A_65, %dma_start3A_66] : memref<20480x128xf32, #tpu.memory_space<hbm>> -> memref<640x128xf32, #tpu.memory_space<hbm>>
      %dma_start3A_68 = arith.constant 0 : i32
      %dma_start3A_69 = tpu.memref_slice %arg14[%mul3A_60, %dma_start3A_68] : memref<10240x128xf32, #tpu.memory_space<vmem_shared>> -> memref<640x128xf32, #tpu.memory_space<vmem_shared>>
      tpu.enqueue_dma source(%dma_start3A_69 : memref<640x128xf32, #tpu.memory_space<vmem_shared>>) target(%dma_start3A_67 : memref<640x128xf32, #tpu.memory_space<hbm>>) target_semaphore(%run_scoped3A : memref<!tpu.dma_semaphore, #tpu.memory_space<semaphore_mem>>)
      %dma_wait3A = arith.constant 0 : i32
      %dma_wait3A_70 = tpu.memref_slice %arg5[%add3A_65, %dma_wait3A] : memref<20480x128xf32, #tpu.memory_space<hbm>> -> memref<640x128xf32, #tpu.memory_space<hbm>>
      %dma_wait3A_71 = arith.constant 0 : i32
      %dma_wait3A_72 = tpu.memref_slice %arg14[%mul3A_60, %dma_wait3A_71] : memref<10240x128xf32, #tpu.memory_space<vmem_shared>> -> memref<640x128xf32, #tpu.memory_space<vmem_shared>>
      tpu.wait_dma2 semaphore(%run_scoped3A : memref<!tpu.dma_semaphore, #tpu.memory_space<semaphore_mem>>) src(%dma_wait3A_72 : memref<640x128xf32, #tpu.memory_space<vmem_shared>>) dst(%dma_wait3A_70 : memref<640x128xf32, #tpu.memory_space<hbm>>)
      tpu.yield
    }) : () -> ()
    return
  }
}

#map = affine_map<(d0, d1) -> (0)>
#map1 = affine_map<(d0, d1) -> (0, 0)>
module attributes {stable_mosaic.version = 14 : i64} {
  func.func @_sc_degree(%arg0: i32, %arg1: i32, %arg2: memref<320000xi32, #tpu.memory_space<hbm>>, %arg3: memref<20480x128xf32, #tpu.memory_space<hbm>>, %arg4: memref<128x128xf32, #tpu.memory_space<vmem>>, %arg5: memref<128xi32, #tpu.memory_space<vmem>>, %arg6: memref<128xi32, #tpu.memory_space<vmem>>, %arg7: memref<!tpu.dma_semaphore, #tpu.memory_space<semaphore_mem>>, %arg8: memref<!tpu.dma_semaphore, #tpu.memory_space<semaphore_mem>>, %arg9: memref<10240x128xf32, #tpu.memory_space<vmem_shared>>) attributes {dimension_semantics = [#tpu.dimension_semantics<core_parallel>, #tpu.dimension_semantics<subcore_parallel>], iteration_bounds = array<i64: 2, 16>, scalar_prefetch = 0 : i64, scratch_operands = 6 : i64, tpu.core_type = #tpu.core_type<sc_vector_subcore>, window_params = [{transform_indices = #map}, {transform_indices = #map1}]} {
    %mul3A = arith.constant 2 : i32
    %mul3A_0 = arith.muli %arg1, %mul3A : i32
    %add3A = arith.addi %mul3A_0, %arg0 : i32
    %mul3A_1 = arith.constant 78 : i32
    %mul3A_2 = arith.muli %add3A, %mul3A_1 : i32
    %min3A = arith.constant 4 : i32
    %min3A_3 = arith.minsi %add3A, %min3A : i32
    %add3A_4 = arith.addi %mul3A_2, %min3A_3 : i32
    %mul3A_5 = arith.constant 128 : i32
    %mul3A_6 = arith.muli %add3A_4, %mul3A_5 : i32
    %broadcast_in_dim3A = arith.constant 0.000000e+00 : f32
    %broadcast_in_dim3A_7 = vector.broadcast %broadcast_in_dim3A : f32 to vector<16xf32>
    %scan3A = arith.constant 0 : i32
    %scan3A_8 = arith.constant 0 : i32
    %scan3A_9 = arith.constant 128 : i32
    %scan3A_10 = arith.addi %scan3A_8, %scan3A_9 : i32
    %scan3A_11 = arith.constant 1 : i32
    scf.for %scan3A_64 = %scan3A_8 to %scan3A_10 step %scan3A_11  : i32 {
      %swap3A = arith.index_cast %scan3A_64 : i32 to index
      %swap3A_65 = arith.constant 0 : index
      %swap3A_66 = tpu.vector_load %arg4[%swap3A, %swap3A_65] {strides = array<i32>} : memref<128x128xf32, #tpu.memory_space<vmem>>, vector<1x16xf32>,
      %swap3A_67 = vector.shape_cast %swap3A_66 : vector<1x16xf32> to vector<16xf32>
      %swap3A_68 = vector.shape_cast %broadcast_in_dim3A_7 : vector<16xf32> to vector<1x16xf32>
      tpu.vector_store %arg4[%swap3A, %swap3A_65], %swap3A_68 {strides = array<i32>} : memref<128x128xf32, #tpu.memory_space<vmem>>, vector<1x16xf32>,
      %swap3A_69 = arith.index_cast %scan3A_64 : i32 to index
      %swap3A_70 = arith.constant 16 : index
      %swap3A_71 = tpu.vector_load %arg4[%swap3A_69, %swap3A_70] {strides = array<i32>} : memref<128x128xf32, #tpu.memory_space<vmem>>, vector<1x16xf32>,
      %swap3A_72 = vector.shape_cast %swap3A_71 : vector<1x16xf32> to vector<16xf32>
      %swap3A_73 = vector.shape_cast %broadcast_in_dim3A_7 : vector<16xf32> to vector<1x16xf32>
      tpu.vector_store %arg4[%swap3A_69, %swap3A_70], %swap3A_73 {strides = array<i32>} : memref<128x128xf32, #tpu.memory_space<vmem>>, vector<1x16xf32>,
      %swap3A_74 = arith.index_cast %scan3A_64 : i32 to index
      %swap3A_75 = arith.constant 32 : index
      %swap3A_76 = tpu.vector_load %arg4[%swap3A_74, %swap3A_75] {strides = array<i32>} : memref<128x128xf32, #tpu.memory_space<vmem>>, vector<1x16xf32>,
      %swap3A_77 = vector.shape_cast %swap3A_76 : vector<1x16xf32> to vector<16xf32>
      %swap3A_78 = vector.shape_cast %broadcast_in_dim3A_7 : vector<16xf32> to vector<1x16xf32>
      tpu.vector_store %arg4[%swap3A_74, %swap3A_75], %swap3A_78 {strides = array<i32>} : memref<128x128xf32, #tpu.memory_space<vmem>>, vector<1x16xf32>,
      %swap3A_79 = arith.index_cast %scan3A_64 : i32 to index
      %swap3A_80 = arith.constant 48 : index
      %swap3A_81 = tpu.vector_load %arg4[%swap3A_79, %swap3A_80] {strides = array<i32>} : memref<128x128xf32, #tpu.memory_space<vmem>>, vector<1x16xf32>,
      %swap3A_82 = vector.shape_cast %swap3A_81 : vector<1x16xf32> to vector<16xf32>
      %swap3A_83 = vector.shape_cast %broadcast_in_dim3A_7 : vector<16xf32> to vector<1x16xf32>
      tpu.vector_store %arg4[%swap3A_79, %swap3A_80], %swap3A_83 {strides = array<i32>} : memref<128x128xf32, #tpu.memory_space<vmem>>, vector<1x16xf32>,
      %swap3A_84 = arith.index_cast %scan3A_64 : i32 to index
      %swap3A_85 = arith.constant 64 : index
      %swap3A_86 = tpu.vector_load %arg4[%swap3A_84, %swap3A_85] {strides = array<i32>} : memref<128x128xf32, #tpu.memory_space<vmem>>, vector<1x16xf32>,
      %swap3A_87 = vector.shape_cast %swap3A_86 : vector<1x16xf32> to vector<16xf32>
      %swap3A_88 = vector.shape_cast %broadcast_in_dim3A_7 : vector<16xf32> to vector<1x16xf32>
      tpu.vector_store %arg4[%swap3A_84, %swap3A_85], %swap3A_88 {strides = array<i32>} : memref<128x128xf32, #tpu.memory_space<vmem>>, vector<1x16xf32>,
      %swap3A_89 = arith.index_cast %scan3A_64 : i32 to index
      %swap3A_90 = arith.constant 80 : index
      %swap3A_91 = tpu.vector_load %arg4[%swap3A_89, %swap3A_90] {strides = array<i32>} : memref<128x128xf32, #tpu.memory_space<vmem>>, vector<1x16xf32>,
      %swap3A_92 = vector.shape_cast %swap3A_91 : vector<1x16xf32> to vector<16xf32>
      %swap3A_93 = vector.shape_cast %broadcast_in_dim3A_7 : vector<16xf32> to vector<1x16xf32>
      tpu.vector_store %arg4[%swap3A_89, %swap3A_90], %swap3A_93 {strides = array<i32>} : memref<128x128xf32, #tpu.memory_space<vmem>>, vector<1x16xf32>,
      %swap3A_94 = arith.index_cast %scan3A_64 : i32 to index
      %swap3A_95 = arith.constant 96 : index
      %swap3A_96 = tpu.vector_load %arg4[%swap3A_94, %swap3A_95] {strides = array<i32>} : memref<128x128xf32, #tpu.memory_space<vmem>>, vector<1x16xf32>,
      %swap3A_97 = vector.shape_cast %swap3A_96 : vector<1x16xf32> to vector<16xf32>
      %swap3A_98 = vector.shape_cast %broadcast_in_dim3A_7 : vector<16xf32> to vector<1x16xf32>
      tpu.vector_store %arg4[%swap3A_94, %swap3A_95], %swap3A_98 {strides = array<i32>} : memref<128x128xf32, #tpu.memory_space<vmem>>, vector<1x16xf32>,
      %swap3A_99 = arith.index_cast %scan3A_64 : i32 to index
      %swap3A_100 = arith.constant 112 : index
      %swap3A_101 = tpu.vector_load %arg4[%swap3A_99, %swap3A_100] {strides = array<i32>} : memref<128x128xf32, #tpu.memory_space<vmem>>, vector<1x16xf32>,
      %swap3A_102 = vector.shape_cast %swap3A_101 : vector<1x16xf32> to vector<16xf32>
      %swap3A_103 = vector.shape_cast %broadcast_in_dim3A_7 : vector<16xf32> to vector<1x16xf32>
      tpu.vector_store %arg4[%swap3A_99, %swap3A_100], %swap3A_103 {strides = array<i32>} : memref<128x128xf32, #tpu.memory_space<vmem>>, vector<1x16xf32>,
    }
    %scan3A_12 = arith.constant 128 : i32
    %mul3A_13 = arith.constant 640 : i32
    %mul3A_14 = arith.muli %arg1, %mul3A_13 : i32
    %add3A_15 = arith.constant 0 : i32
    %add3A_16 = arith.addi %mul3A_14, %add3A_15 : i32
    "tpu.region"() ({
      %run_scoped3A = tpu.sem_alloc : memref<!tpu.dma_semaphore, #tpu.memory_space<semaphore_mem>>
      %dma_start3A_64 = arith.constant 0 : i32
      %dma_start3A_65 = tpu.memref_slice %arg9[%add3A_16, %dma_start3A_64] : memref<10240x128xf32, #tpu.memory_space<vmem_shared>> -> memref<128x128xf32, #tpu.memory_space<vmem_shared>>
      %dma_start3A_66 = arith.constant 0 : i32
      %dma_start3A_67 = tpu.memref_slice %arg9[%add3A_16, %dma_start3A_66] : memref<10240x128xf32, #tpu.memory_space<vmem_shared>> -> memref<128x128xf32, #tpu.memory_space<vmem_shared>>
      tpu.enqueue_dma source(%arg4 : memref<128x128xf32, #tpu.memory_space<vmem>>) target(%dma_start3A_67 : memref<128x128xf32, #tpu.memory_space<vmem_shared>>) target_semaphore(%run_scoped3A : memref<!tpu.dma_semaphore, #tpu.memory_space<semaphore_mem>>)
      %dma_wait3A = arith.constant 0 : i32
      %dma_wait3A_68 = tpu.memref_slice %arg9[%add3A_16, %dma_wait3A] : memref<10240x128xf32, #tpu.memory_space<vmem_shared>> -> memref<128x128xf32, #tpu.memory_space<vmem_shared>>
      %dma_wait3A_69 = arith.constant 0 : i32
      %dma_wait3A_70 = tpu.memref_slice %arg9[%add3A_16, %dma_wait3A_69] : memref<10240x128xf32, #tpu.memory_space<vmem_shared>> -> memref<128x128xf32, #tpu.memory_space<vmem_shared>>
      tpu.wait_dma2 semaphore(%run_scoped3A : memref<!tpu.dma_semaphore, #tpu.memory_space<semaphore_mem>>) src(%arg4 : memref<128x128xf32, #tpu.memory_space<vmem>>) dst(%dma_wait3A_70 : memref<128x128xf32, #tpu.memory_space<vmem_shared>>)
      tpu.yield
    }) : () -> ()
    %mul3A_17 = arith.constant 640 : i32
    %mul3A_18 = arith.muli %arg1, %mul3A_17 : i32
    %add3A_19 = arith.constant 128 : i32
    %add3A_20 = arith.addi %mul3A_18, %add3A_19 : i32
    "tpu.region"() ({
      %run_scoped3A = tpu.sem_alloc : memref<!tpu.dma_semaphore, #tpu.memory_space<semaphore_mem>>
      %dma_start3A_64 = arith.constant 0 : i32
      %dma_start3A_65 = tpu.memref_slice %arg9[%add3A_20, %dma_start3A_64] : memref<10240x128xf32, #tpu.memory_space<vmem_shared>> -> memref<128x128xf32, #tpu.memory_space<vmem_shared>>
      %dma_start3A_66 = arith.constant 0 : i32
      %dma_start3A_67 = tpu.memref_slice %arg9[%add3A_20, %dma_start3A_66] : memref<10240x128xf32, #tpu.memory_space<vmem_shared>> -> memref<128x128xf32, #tpu.memory_space<vmem_shared>>
      tpu.enqueue_dma source(%arg4 : memref<128x128xf32, #tpu.memory_space<vmem>>) target(%dma_start3A_67 : memref<128x128xf32, #tpu.memory_space<vmem_shared>>) target_semaphore(%run_scoped3A : memref<!tpu.dma_semaphore, #tpu.memory_space<semaphore_mem>>)
      %dma_wait3A = arith.constant 0 : i32
      %dma_wait3A_68 = tpu.memref_slice %arg9[%add3A_20, %dma_wait3A] : memref<10240x128xf32, #tpu.memory_space<vmem_shared>> -> memref<128x128xf32, #tpu.memory_space<vmem_shared>>
      %dma_wait3A_69 = arith.constant 0 : i32
      %dma_wait3A_70 = tpu.memref_slice %arg9[%add3A_20, %dma_wait3A_69] : memref<10240x128xf32, #tpu.memory_space<vmem_shared>> -> memref<128x128xf32, #tpu.memory_space<vmem_shared>>
      tpu.wait_dma2 semaphore(%run_scoped3A : memref<!tpu.dma_semaphore, #tpu.memory_space<semaphore_mem>>) src(%arg4 : memref<128x128xf32, #tpu.memory_space<vmem>>) dst(%dma_wait3A_70 : memref<128x128xf32, #tpu.memory_space<vmem_shared>>)
      tpu.yield
    }) : () -> ()
    %mul3A_21 = arith.constant 640 : i32
    %mul3A_22 = arith.muli %arg1, %mul3A_21 : i32
    %add3A_23 = arith.constant 256 : i32
    %add3A_24 = arith.addi %mul3A_22, %add3A_23 : i32
    "tpu.region"() ({
      %run_scoped3A = tpu.sem_alloc : memref<!tpu.dma_semaphore, #tpu.memory_space<semaphore_mem>>
      %dma_start3A_64 = arith.constant 0 : i32
      %dma_start3A_65 = tpu.memref_slice %arg9[%add3A_24, %dma_start3A_64] : memref<10240x128xf32, #tpu.memory_space<vmem_shared>> -> memref<128x128xf32, #tpu.memory_space<vmem_shared>>
      %dma_start3A_66 = arith.constant 0 : i32
      %dma_start3A_67 = tpu.memref_slice %arg9[%add3A_24, %dma_start3A_66] : memref<10240x128xf32, #tpu.memory_space<vmem_shared>> -> memref<128x128xf32, #tpu.memory_space<vmem_shared>>
      tpu.enqueue_dma source(%arg4 : memref<128x128xf32, #tpu.memory_space<vmem>>) target(%dma_start3A_67 : memref<128x128xf32, #tpu.memory_space<vmem_shared>>) target_semaphore(%run_scoped3A : memref<!tpu.dma_semaphore, #tpu.memory_space<semaphore_mem>>)
      %dma_wait3A = arith.constant 0 : i32
      %dma_wait3A_68 = tpu.memref_slice %arg9[%add3A_24, %dma_wait3A] : memref<10240x128xf32, #tpu.memory_space<vmem_shared>> -> memref<128x128xf32, #tpu.memory_space<vmem_shared>>
      %dma_wait3A_69 = arith.constant 0 : i32
      %dma_wait3A_70 = tpu.memref_slice %arg9[%add3A_24, %dma_wait3A_69] : memref<10240x128xf32, #tpu.memory_space<vmem_shared>> -> memref<128x128xf32, #tpu.memory_space<vmem_shared>>
      tpu.wait_dma2 semaphore(%run_scoped3A : memref<!tpu.dma_semaphore, #tpu.memory_space<semaphore_mem>>) src(%arg4 : memref<128x128xf32, #tpu.memory_space<vmem>>) dst(%dma_wait3A_70 : memref<128x128xf32, #tpu.memory_space<vmem_shared>>)
      tpu.yield
    }) : () -> ()
    %mul3A_25 = arith.constant 640 : i32
    %mul3A_26 = arith.muli %arg1, %mul3A_25 : i32
    %add3A_27 = arith.constant 384 : i32
    %add3A_28 = arith.addi %mul3A_26, %add3A_27 : i32
    "tpu.region"() ({
      %run_scoped3A = tpu.sem_alloc : memref<!tpu.dma_semaphore, #tpu.memory_space<semaphore_mem>>
      %dma_start3A_64 = arith.constant 0 : i32
      %dma_start3A_65 = tpu.memref_slice %arg9[%add3A_28, %dma_start3A_64] : memref<10240x128xf32, #tpu.memory_space<vmem_shared>> -> memref<128x128xf32, #tpu.memory_space<vmem_shared>>
      %dma_start3A_66 = arith.constant 0 : i32
      %dma_start3A_67 = tpu.memref_slice %arg9[%add3A_28, %dma_start3A_66] : memref<10240x128xf32, #tpu.memory_space<vmem_shared>> -> memref<128x128xf32, #tpu.memory_space<vmem_shared>>
      tpu.enqueue_dma source(%arg4 : memref<128x128xf32, #tpu.memory_space<vmem>>) target(%dma_start3A_67 : memref<128x128xf32, #tpu.memory_space<vmem_shared>>) target_semaphore(%run_scoped3A : memref<!tpu.dma_semaphore, #tpu.memory_space<semaphore_mem>>)
      %dma_wait3A = arith.constant 0 : i32
      %dma_wait3A_68 = tpu.memref_slice %arg9[%add3A_28, %dma_wait3A] : memref<10240x128xf32, #tpu.memory_space<vmem_shared>> -> memref<128x128xf32, #tpu.memory_space<vmem_shared>>
      %dma_wait3A_69 = arith.constant 0 : i32
      %dma_wait3A_70 = tpu.memref_slice %arg9[%add3A_28, %dma_wait3A_69] : memref<10240x128xf32, #tpu.memory_space<vmem_shared>> -> memref<128x128xf32, #tpu.memory_space<vmem_shared>>
      tpu.wait_dma2 semaphore(%run_scoped3A : memref<!tpu.dma_semaphore, #tpu.memory_space<semaphore_mem>>) src(%arg4 : memref<128x128xf32, #tpu.memory_space<vmem>>) dst(%dma_wait3A_70 : memref<128x128xf32, #tpu.memory_space<vmem_shared>>)
      tpu.yield
    }) : () -> ()
    %mul3A_29 = arith.constant 640 : i32
    %mul3A_30 = arith.muli %arg1, %mul3A_29 : i32
    %add3A_31 = arith.constant 512 : i32
    %add3A_32 = arith.addi %mul3A_30, %add3A_31 : i32
    "tpu.region"() ({
      %run_scoped3A = tpu.sem_alloc : memref<!tpu.dma_semaphore, #tpu.memory_space<semaphore_mem>>
      %dma_start3A_64 = arith.constant 0 : i32
      %dma_start3A_65 = tpu.memref_slice %arg9[%add3A_32, %dma_start3A_64] : memref<10240x128xf32, #tpu.memory_space<vmem_shared>> -> memref<128x128xf32, #tpu.memory_space<vmem_shared>>
      %dma_start3A_66 = arith.constant 0 : i32
      %dma_start3A_67 = tpu.memref_slice %arg9[%add3A_32, %dma_start3A_66] : memref<10240x128xf32, #tpu.memory_space<vmem_shared>> -> memref<128x128xf32, #tpu.memory_space<vmem_shared>>
      tpu.enqueue_dma source(%arg4 : memref<128x128xf32, #tpu.memory_space<vmem>>) target(%dma_start3A_67 : memref<128x128xf32, #tpu.memory_space<vmem_shared>>) target_semaphore(%run_scoped3A : memref<!tpu.dma_semaphore, #tpu.memory_space<semaphore_mem>>)
      %dma_wait3A = arith.constant 0 : i32
      %dma_wait3A_68 = tpu.memref_slice %arg9[%add3A_32, %dma_wait3A] : memref<10240x128xf32, #tpu.memory_space<vmem_shared>> -> memref<128x128xf32, #tpu.memory_space<vmem_shared>>
      %dma_wait3A_69 = arith.constant 0 : i32
      %dma_wait3A_70 = tpu.memref_slice %arg9[%add3A_32, %dma_wait3A_69] : memref<10240x128xf32, #tpu.memory_space<vmem_shared>> -> memref<128x128xf32, #tpu.memory_space<vmem_shared>>
      tpu.wait_dma2 semaphore(%run_scoped3A : memref<!tpu.dma_semaphore, #tpu.memory_space<semaphore_mem>>) src(%arg4 : memref<128x128xf32, #tpu.memory_space<vmem>>) dst(%dma_wait3A_70 : memref<128x128xf32, #tpu.memory_space<vmem_shared>>)
      tpu.yield
    }) : () -> ()
    %broadcast_in_dim3A_33 = arith.constant 1.000000e+00 : f32
    %broadcast_in_dim3A_34 = vector.broadcast %broadcast_in_dim3A_33 : f32 to vector<16xf32>
    %scan3A_35 = arith.constant 0 : i32
    %scan3A_36 = arith.constant 0 : i32
    %scan3A_37 = arith.constant 128 : i32
    %scan3A_38 = arith.addi %scan3A_36, %scan3A_37 : i32
    %scan3A_39 = arith.constant 1 : i32
    scf.for %scan3A_64 = %scan3A_36 to %scan3A_38 step %scan3A_39  : i32 {
      %swap3A = arith.index_cast %scan3A_64 : i32 to index
      %swap3A_65 = arith.constant 0 : index
      %swap3A_66 = tpu.vector_load %arg4[%swap3A, %swap3A_65] {strides = array<i32>} : memref<128x128xf32, #tpu.memory_space<vmem>>, vector<1x16xf32>,
      %swap3A_67 = vector.shape_cast %swap3A_66 : vector<1x16xf32> to vector<16xf32>
      %swap3A_68 = vector.shape_cast %broadcast_in_dim3A_34 : vector<16xf32> to vector<1x16xf32>
      tpu.vector_store %arg4[%swap3A, %swap3A_65], %swap3A_68 {strides = array<i32>} : memref<128x128xf32, #tpu.memory_space<vmem>>, vector<1x16xf32>,
      %swap3A_69 = arith.index_cast %scan3A_64 : i32 to index
      %swap3A_70 = arith.constant 16 : index
      %swap3A_71 = tpu.vector_load %arg4[%swap3A_69, %swap3A_70] {strides = array<i32>} : memref<128x128xf32, #tpu.memory_space<vmem>>, vector<1x16xf32>,
      %swap3A_72 = vector.shape_cast %swap3A_71 : vector<1x16xf32> to vector<16xf32>
      %swap3A_73 = vector.shape_cast %broadcast_in_dim3A_34 : vector<16xf32> to vector<1x16xf32>
      tpu.vector_store %arg4[%swap3A_69, %swap3A_70], %swap3A_73 {strides = array<i32>} : memref<128x128xf32, #tpu.memory_space<vmem>>, vector<1x16xf32>,
      %swap3A_74 = arith.index_cast %scan3A_64 : i32 to index
      %swap3A_75 = arith.constant 32 : index
      %swap3A_76 = tpu.vector_load %arg4[%swap3A_74, %swap3A_75] {strides = array<i32>} : memref<128x128xf32, #tpu.memory_space<vmem>>, vector<1x16xf32>,
      %swap3A_77 = vector.shape_cast %swap3A_76 : vector<1x16xf32> to vector<16xf32>
      %swap3A_78 = vector.shape_cast %broadcast_in_dim3A_34 : vector<16xf32> to vector<1x16xf32>
      tpu.vector_store %arg4[%swap3A_74, %swap3A_75], %swap3A_78 {strides = array<i32>} : memref<128x128xf32, #tpu.memory_space<vmem>>, vector<1x16xf32>,
      %swap3A_79 = arith.index_cast %scan3A_64 : i32 to index
      %swap3A_80 = arith.constant 48 : index
      %swap3A_81 = tpu.vector_load %arg4[%swap3A_79, %swap3A_80] {strides = array<i32>} : memref<128x128xf32, #tpu.memory_space<vmem>>, vector<1x16xf32>,
      %swap3A_82 = vector.shape_cast %swap3A_81 : vector<1x16xf32> to vector<16xf32>
      %swap3A_83 = vector.shape_cast %broadcast_in_dim3A_34 : vector<16xf32> to vector<1x16xf32>
      tpu.vector_store %arg4[%swap3A_79, %swap3A_80], %swap3A_83 {strides = array<i32>} : memref<128x128xf32, #tpu.memory_space<vmem>>, vector<1x16xf32>,
      %swap3A_84 = arith.index_cast %scan3A_64 : i32 to index
      %swap3A_85 = arith.constant 64 : index
      %swap3A_86 = tpu.vector_load %arg4[%swap3A_84, %swap3A_85] {strides = array<i32>} : memref<128x128xf32, #tpu.memory_space<vmem>>, vector<1x16xf32>,
      %swap3A_87 = vector.shape_cast %swap3A_86 : vector<1x16xf32> to vector<16xf32>
      %swap3A_88 = vector.shape_cast %broadcast_in_dim3A_34 : vector<16xf32> to vector<1x16xf32>
      tpu.vector_store %arg4[%swap3A_84, %swap3A_85], %swap3A_88 {strides = array<i32>} : memref<128x128xf32, #tpu.memory_space<vmem>>, vector<1x16xf32>,
      %swap3A_89 = arith.index_cast %scan3A_64 : i32 to index
      %swap3A_90 = arith.constant 80 : index
      %swap3A_91 = tpu.vector_load %arg4[%swap3A_89, %swap3A_90] {strides = array<i32>} : memref<128x128xf32, #tpu.memory_space<vmem>>, vector<1x16xf32>,
      %swap3A_92 = vector.shape_cast %swap3A_91 : vector<1x16xf32> to vector<16xf32>
      %swap3A_93 = vector.shape_cast %broadcast_in_dim3A_34 : vector<16xf32> to vector<1x16xf32>
      tpu.vector_store %arg4[%swap3A_89, %swap3A_90], %swap3A_93 {strides = array<i32>} : memref<128x128xf32, #tpu.memory_space<vmem>>, vector<1x16xf32>,
      %swap3A_94 = arith.index_cast %scan3A_64 : i32 to index
      %swap3A_95 = arith.constant 96 : index
      %swap3A_96 = tpu.vector_load %arg4[%swap3A_94, %swap3A_95] {strides = array<i32>} : memref<128x128xf32, #tpu.memory_space<vmem>>, vector<1x16xf32>,
      %swap3A_97 = vector.shape_cast %swap3A_96 : vector<1x16xf32> to vector<16xf32>
      %swap3A_98 = vector.shape_cast %broadcast_in_dim3A_34 : vector<16xf32> to vector<1x16xf32>
      tpu.vector_store %arg4[%swap3A_94, %swap3A_95], %swap3A_98 {strides = array<i32>} : memref<128x128xf32, #tpu.memory_space<vmem>>, vector<1x16xf32>,
      %swap3A_99 = arith.index_cast %scan3A_64 : i32 to index
      %swap3A_100 = arith.constant 112 : index
      %swap3A_101 = tpu.vector_load %arg4[%swap3A_99, %swap3A_100] {strides = array<i32>} : memref<128x128xf32, #tpu.memory_space<vmem>>, vector<1x16xf32>,
      %swap3A_102 = vector.shape_cast %swap3A_101 : vector<1x16xf32> to vector<16xf32>
      %swap3A_103 = vector.shape_cast %broadcast_in_dim3A_34 : vector<16xf32> to vector<1x16xf32>
      tpu.vector_store %arg4[%swap3A_99, %swap3A_100], %swap3A_103 {strides = array<i32>} : memref<128x128xf32, #tpu.memory_space<vmem>>, vector<1x16xf32>,
    }
    %scan3A_40 = arith.constant 128 : i32
    %barrier3A = arith.constant 0 : index
    tpu.barrier barrier_id(%barrier3A)
    %add3A_41 = arith.constant 0 : i32
    %add3A_42 = arith.addi %mul3A_6, %add3A_41 : i32
    %dma_start3A = tpu.memref_slice %arg2[%add3A_42] : memref<320000xi32, #tpu.memory_space<hbm>> -> memref<128xi32, #tpu.memory_space<hbm>>
    %dma_start3A_43 = tpu.memref_slice %arg2[%add3A_42] : memref<320000xi32, #tpu.memory_space<hbm>> -> memref<128xi32, #tpu.memory_space<hbm>>
    tpu.enqueue_dma source(%dma_start3A_43 : memref<128xi32, #tpu.memory_space<hbm>>) target(%arg5 : memref<128xi32, #tpu.memory_space<vmem>>) target_semaphore(%arg7 : memref<!tpu.dma_semaphore, #tpu.memory_space<semaphore_mem>>)
    %add3A_44 = arith.constant 128 : i32
    %add3A_45 = arith.addi %mul3A_6, %add3A_44 : i32
    %dma_start3A_46 = tpu.memref_slice %arg2[%add3A_45] : memref<320000xi32, #tpu.memory_space<hbm>> -> memref<128xi32, #tpu.memory_space<hbm>>
    %dma_start3A_47 = tpu.memref_slice %arg2[%add3A_45] : memref<320000xi32, #tpu.memory_space<hbm>> -> memref<128xi32, #tpu.memory_space<hbm>>
    tpu.enqueue_dma source(%dma_start3A_47 : memref<128xi32, #tpu.memory_space<hbm>>) target(%arg6 : memref<128xi32, #tpu.memory_space<vmem>>) target_semaphore(%arg8 : memref<!tpu.dma_semaphore, #tpu.memory_space<semaphore_mem>>)
    %scan3A_48 = arith.constant 0 : i32
    %scan3A_49 = arith.constant 0 : i32
    %scan3A_50 = arith.constant 39 : i32
    %scan3A_51 = arith.addi %scan3A_49, %scan3A_50 : i32
    %scan3A_52 = arith.constant 1 : i32
    scf.for %scan3A_64 = %scan3A_49 to %scan3A_51 step %scan3A_52  : i32 {
      %mul3A_65 = arith.constant 2 : i32
      %mul3A_66 = arith.muli %scan3A_64, %mul3A_65 : i32
      %add3A_67 = arith.constant 0 : i32
      %add3A_68 = arith.addi %mul3A_66, %add3A_67 : i32
      %dma_wait3A = arith.constant 0 : i32
      %dma_wait3A_69 = tpu.memref_slice %arg2[%dma_wait3A] : memref<320000xi32, #tpu.memory_space<hbm>> -> memref<128xi32, #tpu.memory_space<hbm>>
      %dma_wait3A_70 = arith.constant 0 : i32
      %dma_wait3A_71 = tpu.memref_slice %arg2[%dma_wait3A_70] : memref<320000xi32, #tpu.memory_space<hbm>> -> memref<128xi32, #tpu.memory_space<hbm>>
      tpu.wait_dma2 semaphore(%arg7 : memref<!tpu.dma_semaphore, #tpu.memory_space<semaphore_mem>>) src(%dma_wait3A_71 : memref<128xi32, #tpu.memory_space<hbm>>) dst(%arg5 : memref<128xi32, #tpu.memory_space<vmem>>)
      "tpu.region"() ({
        %run_scoped3A = tpu.sem_alloc : memref<!tpu.dma_semaphore, #tpu.memory_space<semaphore_mem>>
        %dma_start3A_90 = arith.constant 0 : i32
        %dma_start3A_91 = arith.constant 0 : i32
        %dma_start3A_92 = tpu.memref_slice %arg9[%dma_start3A_90, %dma_start3A_91] : memref<10240x128xf32, #tpu.memory_space<vmem_shared>> -> memref<10240x128xf32, #tpu.memory_space<vmem_shared>>
        tpu.enqueue_indirect_dma source(%arg4 : memref<128x128xf32, #tpu.memory_space<vmem>>) target(%dma_start3A_92 : memref<10240x128xf32, #tpu.memory_space<vmem_shared>>) offsets(%arg5 : memref<128xi32, #tpu.memory_space<vmem>>) semaphore(%run_scoped3A : memref<!tpu.dma_semaphore, #tpu.memory_space<semaphore_mem>>) {add = true}
        %dma_wait3A_93 = arith.constant 0 : i32
        %dma_wait3A_94 = arith.constant 0 : i32
        %dma_wait3A_95 = tpu.memref_slice %arg9[%dma_wait3A_93, %dma_wait3A_94] : memref<10240x128xf32, #tpu.memory_space<vmem_shared>> -> memref<10240x128xf32, #tpu.memory_space<vmem_shared>>
        tpu.wait_indirect_dma semaphore(%run_scoped3A : memref<!tpu.dma_semaphore, #tpu.memory_space<semaphore_mem>>) src(%arg4 : memref<128x128xf32, #tpu.memory_space<vmem>>) dst(%dma_wait3A_95 : memref<10240x128xf32, #tpu.memory_space<vmem_shared>>)
        tpu.yield
      }) : () -> ()
      %lt3A_72 = arith.constant 38 : i32
      %lt3A_73 = arith.cmpi slt, %scan3A_64, %lt3A_72 : i32
      %convert_element_type3A_74 = arith.extui %lt3A_73 : i1 to i32
      %cond3A_75 = arith.constant 0 : i32
      %cond3A_76 = arith.cmpi ne, %convert_element_type3A_74, %cond3A_75 : i32
      scf.if %cond3A_76 {
        %add3A_90 = arith.constant 2 : i32
        %add3A_91 = arith.addi %add3A_68, %add3A_90 : i32
        %mul3A_92 = arith.constant 128 : i32
        %mul3A_93 = arith.muli %add3A_91, %mul3A_92 : i32
        %add3A_94 = arith.addi %mul3A_6, %mul3A_93 : i32
        %dma_start3A_95 = tpu.memref_slice %arg2[%add3A_94] : memref<320000xi32, #tpu.memory_space<hbm>> -> memref<128xi32, #tpu.memory_space<hbm>>
        %dma_start3A_96 = tpu.memref_slice %arg2[%add3A_94] : memref<320000xi32, #tpu.memory_space<hbm>> -> memref<128xi32, #tpu.memory_space<hbm>>
        tpu.enqueue_dma source(%dma_start3A_96 : memref<128xi32, #tpu.memory_space<hbm>>) target(%arg5 : memref<128xi32, #tpu.memory_space<vmem>>) target_semaphore(%arg7 : memref<!tpu.dma_semaphore, #tpu.memory_space<semaphore_mem>>)
      } else {
      }
      %mul3A_77 = arith.constant 2 : i32
      %mul3A_78 = arith.muli %scan3A_64, %mul3A_77 : i32
      %add3A_79 = arith.constant 1 : i32
      %add3A_80 = arith.addi %mul3A_78, %add3A_79 : i32
      %dma_wait3A_81 = arith.constant 0 : i32
      %dma_wait3A_82 = tpu.memref_slice %arg2[%dma_wait3A_81] : memref<320000xi32, #tpu.memory_space<hbm>> -> memref<128xi32, #tpu.memory_space<hbm>>
      %dma_wait3A_83 = arith.constant 0 : i32
      %dma_wait3A_84 = tpu.memref_slice %arg2[%dma_wait3A_83] : memref<320000xi32, #tpu.memory_space<hbm>> -> memref<128xi32, #tpu.memory_space<hbm>>
      tpu.wait_dma2 semaphore(%arg8 : memref<!tpu.dma_semaphore, #tpu.memory_space<semaphore_mem>>) src(%dma_wait3A_84 : memref<128xi32, #tpu.memory_space<hbm>>) dst(%arg6 : memref<128xi32, #tpu.memory_space<vmem>>)
      "tpu.region"() ({
        %run_scoped3A = tpu.sem_alloc : memref<!tpu.dma_semaphore, #tpu.memory_space<semaphore_mem>>
        %dma_start3A_90 = arith.constant 0 : i32
        %dma_start3A_91 = arith.constant 0 : i32
        %dma_start3A_92 = tpu.memref_slice %arg9[%dma_start3A_90, %dma_start3A_91] : memref<10240x128xf32, #tpu.memory_space<vmem_shared>> -> memref<10240x128xf32, #tpu.memory_space<vmem_shared>>
        tpu.enqueue_indirect_dma source(%arg4 : memref<128x128xf32, #tpu.memory_space<vmem>>) target(%dma_start3A_92 : memref<10240x128xf32, #tpu.memory_space<vmem_shared>>) offsets(%arg6 : memref<128xi32, #tpu.memory_space<vmem>>) semaphore(%run_scoped3A : memref<!tpu.dma_semaphore, #tpu.memory_space<semaphore_mem>>) {add = true}
        %dma_wait3A_93 = arith.constant 0 : i32
        %dma_wait3A_94 = arith.constant 0 : i32
        %dma_wait3A_95 = tpu.memref_slice %arg9[%dma_wait3A_93, %dma_wait3A_94] : memref<10240x128xf32, #tpu.memory_space<vmem_shared>> -> memref<10240x128xf32, #tpu.memory_space<vmem_shared>>
        tpu.wait_indirect_dma semaphore(%run_scoped3A : memref<!tpu.dma_semaphore, #tpu.memory_space<semaphore_mem>>) src(%arg4 : memref<128x128xf32, #tpu.memory_space<vmem>>) dst(%dma_wait3A_95 : memref<10240x128xf32, #tpu.memory_space<vmem_shared>>)
        tpu.yield
      }) : () -> ()
      %lt3A_85 = arith.constant 38 : i32
      %lt3A_86 = arith.cmpi slt, %scan3A_64, %lt3A_85 : i32
      %convert_element_type3A_87 = arith.extui %lt3A_86 : i1 to i32
      %cond3A_88 = arith.constant 0 : i32
      %cond3A_89 = arith.cmpi ne, %convert_element_type3A_87, %cond3A_88 : i32
      scf.if %cond3A_89 {
        %add3A_90 = arith.constant 2 : i32
        %add3A_91 = arith.addi %add3A_80, %add3A_90 : i32
        %mul3A_92 = arith.constant 128 : i32
        %mul3A_93 = arith.muli %add3A_91, %mul3A_92 : i32
        %add3A_94 = arith.addi %mul3A_6, %mul3A_93 : i32
        %dma_start3A_95 = tpu.memref_slice %arg2[%add3A_94] : memref<320000xi32, #tpu.memory_space<hbm>> -> memref<128xi32, #tpu.memory_space<hbm>>
        %dma_start3A_96 = tpu.memref_slice %arg2[%add3A_94] : memref<320000xi32, #tpu.memory_space<hbm>> -> memref<128xi32, #tpu.memory_space<hbm>>
        tpu.enqueue_dma source(%dma_start3A_96 : memref<128xi32, #tpu.memory_space<hbm>>) target(%arg6 : memref<128xi32, #tpu.memory_space<vmem>>) target_semaphore(%arg8 : memref<!tpu.dma_semaphore, #tpu.memory_space<semaphore_mem>>)
      } else {
      }
    }
    %scan3A_53 = arith.constant 39 : i32
    %lt3A = arith.constant 4 : i32
    %lt3A_54 = arith.cmpi slt, %add3A, %lt3A : i32
    %convert_element_type3A = arith.extui %lt3A_54 : i1 to i32
    %cond3A = arith.constant 0 : i32
    %cond3A_55 = arith.cmpi ne, %convert_element_type3A, %cond3A : i32
    scf.if %cond3A_55 {
      %add3A_64 = arith.constant 9984 : i32
      %add3A_65 = arith.addi %mul3A_6, %add3A_64 : i32
      "tpu.region"() ({
        %run_scoped3A = tpu.sem_alloc : memref<!tpu.dma_semaphore, #tpu.memory_space<semaphore_mem>>
        %dma_start3A_66 = tpu.memref_slice %arg2[%add3A_65] : memref<320000xi32, #tpu.memory_space<hbm>> -> memref<128xi32, #tpu.memory_space<hbm>>
        %dma_start3A_67 = tpu.memref_slice %arg2[%add3A_65] : memref<320000xi32, #tpu.memory_space<hbm>> -> memref<128xi32, #tpu.memory_space<hbm>>
        tpu.enqueue_dma source(%dma_start3A_67 : memref<128xi32, #tpu.memory_space<hbm>>) target(%arg5 : memref<128xi32, #tpu.memory_space<vmem>>) target_semaphore(%run_scoped3A : memref<!tpu.dma_semaphore, #tpu.memory_space<semaphore_mem>>)
        %dma_wait3A = tpu.memref_slice %arg2[%add3A_65] : memref<320000xi32, #tpu.memory_space<hbm>> -> memref<128xi32, #tpu.memory_space<hbm>>
        %dma_wait3A_68 = tpu.memref_slice %arg2[%add3A_65] : memref<320000xi32, #tpu.memory_space<hbm>> -> memref<128xi32, #tpu.memory_space<hbm>>
        tpu.wait_dma2 semaphore(%run_scoped3A : memref<!tpu.dma_semaphore, #tpu.memory_space<semaphore_mem>>) src(%dma_wait3A_68 : memref<128xi32, #tpu.memory_space<hbm>>) dst(%arg5 : memref<128xi32, #tpu.memory_space<vmem>>)
        tpu.yield
      }) : () -> ()
      "tpu.region"() ({
        %run_scoped3A = tpu.sem_alloc : memref<!tpu.dma_semaphore, #tpu.memory_space<semaphore_mem>>
        %dma_start3A_66 = arith.constant 0 : i32
        %dma_start3A_67 = arith.constant 0 : i32
        %dma_start3A_68 = tpu.memref_slice %arg9[%dma_start3A_66, %dma_start3A_67] : memref<10240x128xf32, #tpu.memory_space<vmem_shared>> -> memref<10240x128xf32, #tpu.memory_space<vmem_shared>>
        tpu.enqueue_indirect_dma source(%arg4 : memref<128x128xf32, #tpu.memory_space<vmem>>) target(%dma_start3A_68 : memref<10240x128xf32, #tpu.memory_space<vmem_shared>>) offsets(%arg5 : memref<128xi32, #tpu.memory_space<vmem>>) semaphore(%run_scoped3A : memref<!tpu.dma_semaphore, #tpu.memory_space<semaphore_mem>>) {add = true}
        %dma_wait3A = arith.constant 0 : i32
        %dma_wait3A_69 = arith.constant 0 : i32
        %dma_wait3A_70 = tpu.memref_slice %arg9[%dma_wait3A, %dma_wait3A_69] : memref<10240x128xf32, #tpu.memory_space<vmem_shared>> -> memref<10240x128xf32, #tpu.memory_space<vmem_shared>>
        tpu.wait_indirect_dma semaphore(%run_scoped3A : memref<!tpu.dma_semaphore, #tpu.memory_space<semaphore_mem>>) src(%arg4 : memref<128x128xf32, #tpu.memory_space<vmem>>) dst(%dma_wait3A_70 : memref<10240x128xf32, #tpu.memory_space<vmem_shared>>)
        tpu.yield
      }) : () -> ()
    } else {
    }
    %barrier3A_56 = arith.constant 0 : index
    tpu.barrier barrier_id(%barrier3A_56)
    %mul3A_57 = arith.constant 640 : i32
    %mul3A_58 = arith.muli %arg1, %mul3A_57 : i32
    %mul3A_59 = arith.constant 10240 : i32
    %mul3A_60 = arith.muli %arg0, %mul3A_59 : i32
    %mul3A_61 = arith.constant 640 : i32
    %mul3A_62 = arith.muli %arg1, %mul3A_61 : i32
    %add3A_63 = arith.addi %mul3A_60, %mul3A_62 : i32
    "tpu.region"() ({
      %run_scoped3A = tpu.sem_alloc : memref<!tpu.dma_semaphore, #tpu.memory_space<semaphore_mem>>
      %dma_start3A_64 = arith.constant 0 : i32
      %dma_start3A_65 = tpu.memref_slice %arg3[%add3A_63, %dma_start3A_64] : memref<20480x128xf32, #tpu.memory_space<hbm>> -> memref<640x128xf32, #tpu.memory_space<hbm>>
      %dma_start3A_66 = arith.constant 0 : i32
      %dma_start3A_67 = tpu.memref_slice %arg9[%mul3A_58, %dma_start3A_66] : memref<10240x128xf32, #tpu.memory_space<vmem_shared>> -> memref<640x128xf32, #tpu.memory_space<vmem_shared>>
      tpu.enqueue_dma source(%dma_start3A_67 : memref<640x128xf32, #tpu.memory_space<vmem_shared>>) target(%dma_start3A_65 : memref<640x128xf32, #tpu.memory_space<hbm>>) target_semaphore(%run_scoped3A : memref<!tpu.dma_semaphore, #tpu.memory_space<semaphore_mem>>)
      %dma_wait3A = arith.constant 0 : i32
      %dma_wait3A_68 = tpu.memref_slice %arg3[%add3A_63, %dma_wait3A] : memref<20480x128xf32, #tpu.memory_space<hbm>> -> memref<640x128xf32, #tpu.memory_space<hbm>>
      %dma_wait3A_69 = arith.constant 0 : i32
      %dma_wait3A_70 = tpu.memref_slice %arg9[%mul3A_58, %dma_wait3A_69] : memref<10240x128xf32, #tpu.memory_space<vmem_shared>> -> memref<640x128xf32, #tpu.memory_space<vmem_shared>>
      tpu.wait_dma2 semaphore(%run_scoped3A : memref<!tpu.dma_semaphore, #tpu.memory_space<semaphore_mem>>) src(%dma_wait3A_70 : memref<640x128xf32, #tpu.memory_space<vmem_shared>>) dst(%dma_wait3A_68 : memref<640x128xf32, #tpu.memory_space<hbm>>)
      tpu.yield
    }) : () -> ()
    return
  }
}

module attributes {stable_mosaic.version = 14 : i64} {
  func.func @_tc_b_body(%arg0: i32, %arg1: memref<256x128xf32, #tpu.memory_space<vmem>>, %arg2: memref<256x128xf32, #tpu.memory_space<vmem>>, %arg3: memref<256x128xf32, #tpu.memory_space<vmem>>, %arg4: memref<256xf32, #tpu.memory_space<vmem>>, %arg5: memref<128xf32, #tpu.memory_space<vmem>>, %arg6: memref<128x128xf32, #tpu.memory_space<vmem>>, %arg7: memref<256x128xf32, #tpu.memory_space<vmem>>) attributes {dimension_semantics = [#tpu.dimension_semantics<arbitrary>], iteration_bounds = array<i64: 40>, scalar_prefetch = 0 : i64, scratch_operands = 0 : i64, tpu.core_type = #tpu.core_type<tc>, window_params = [{transform_indices = @transform_0, window_bounds = array<i64: 256, 128>}, {transform_indices = @transform_1, window_bounds = array<i64: 256, 128>}, {transform_indices = @transform_2, window_bounds = array<i64: 256, 128>}, {transform_indices = @transform_3, window_bounds = array<i64: 256>}, {pipeline_mode = #tpu.pipeline_mode<synchronous>, transform_indices = @transform_4, window_bounds = array<i64: 128>}, {pipeline_mode = #tpu.pipeline_mode<synchronous>, transform_indices = @transform_5, window_bounds = array<i64: 128, 128>}, {transform_indices = @transform_6, window_bounds = array<i64: 256, 128>}]} {
    %get3A = arith.constant 0 : index
    %get3A_0 = vector.load %arg4[%get3A] : memref<256xf32, #tpu.memory_space<vmem>>, vector<256xf32>
    %broadcast_in_dim3A = vector.shape_cast %get3A_0 : vector<256xf32> to vector<256x1xf32>
    %get3A_1 = arith.constant 0 : index
    %get3A_2 = arith.constant 0 : index
    %get3A_3 = vector.load %arg1[%get3A_1, %get3A_2] : memref<256x128xf32, #tpu.memory_space<vmem>>, vector<256x128xf32>
    %get3A_4 = arith.constant 0 : index
    %get3A_5 = arith.constant 0 : index
    %get3A_6 = vector.load %arg2[%get3A_4, %get3A_5] : memref<256x128xf32, #tpu.memory_space<vmem>>, vector<256x128xf32>
    %add3A = arith.addf %get3A_3, %get3A_6 : vector<256x128xf32>
    %get3A_7 = arith.constant 0 : index
    %get3A_8 = arith.constant 0 : index
    %get3A_9 = vector.load %arg3[%get3A_7, %get3A_8] : memref<256x128xf32, #tpu.memory_space<vmem>>, vector<256x128xf32>
    %add3A_10 = arith.addf %add3A, %get3A_9 : vector<256x128xf32>
    %mul3A = vector.broadcast %broadcast_in_dim3A : vector<256x1xf32> to vector<256x128xf32>
    %mul3A_11 = arith.mulf %add3A_10, %mul3A : vector<256x128xf32>
    %get3A_12 = arith.constant 0 : index
    %get3A_13 = vector.load %arg5[%get3A_12] : memref<128xf32, #tpu.memory_space<vmem>>, vector<128xf32>
    %broadcast_in_dim3A_14 = vector.shape_cast %get3A_13 : vector<128xf32> to vector<1x128xf32>
    %add3A_15 = vector.broadcast %broadcast_in_dim3A_14 : vector<1x128xf32> to vector<256x128xf32>
    %add3A_16 = arith.addf %mul3A_11, %add3A_15 : vector<256x128xf32>
    %max3A = arith.constant 0.000000e+00 : f32
    %max3A_17 = vector.broadcast %max3A : f32 to vector<256x128xf32>
    %max3A_18 = arith.maximumf %add3A_16, %max3A_17 : vector<256x128xf32>
    %iota3A = tpu.iota {dimensions = array<i32: 0>} : vector<256x1xi32>
    %mul3A_19 = arith.constant 256 : i32
    %mul3A_20 = arith.muli %arg0, %mul3A_19 : i32
    %add3A_21 = vector.broadcast %mul3A_20 : i32 to vector<256x1xi32>
    %add3A_22 = arith.addi %iota3A, %add3A_21 : vector<256x1xi32>
    %lt3A = arith.constant 10000 : i32
    %lt3A_23 = vector.broadcast %lt3A : i32 to vector<256x1xi32>
    %lt3A_24 = arith.cmpi slt, %add3A_22, %lt3A_23 : vector<256x1xi32>
    %jit3A = arith.constant 0.000000e+00 : f32
    %broadcast_in_dim3A_25 = vector.shape_cast %lt3A_24 : vector<256x1xi1> to vector<256x1xi1>
    %broadcast_in_dim3A_26 = vector.broadcast %broadcast_in_dim3A_25 : vector<256x1xi1> to vector<256x128xi1>
    %broadcast_in_dim3A_27 = vector.broadcast %jit3A : f32 to vector<256x128xf32>
    %select_n3A = arith.select %broadcast_in_dim3A_26, %max3A_18, %broadcast_in_dim3A_27 : vector<256x128xi1>, vector<256x128xf32>
    %get3A_28 = arith.constant 0 : index
    %get3A_29 = arith.constant 0 : index
    %get3A_30 = vector.load %arg6[%get3A_28, %get3A_29] : memref<128x128xf32, #tpu.memory_space<vmem>>, vector<128x128xf32>
    %dot_general3A = arith.constant dense<0.000000e+00> : vector<256x128xf32>
    %dot_general3A_31 = tpu.matmul %select_n3A, %get3A_30, %dot_general3A {dimension_numbers = #tpu.dot_dimension_numbers<[1], [0], [0], [1], [0, 0, 1, 1], [], []>, precision = #tpu.contract_precision<fp32>, transpose_lhs_hint = false} : vector<256x128xf32>, vector<128x128xf32>, vector<256x128xf32> -> vector<256x128xf32>
    %mul3A_32 = vector.broadcast %broadcast_in_dim3A : vector<256x1xf32> to vector<256x128xf32>
    %mul3A_33 = arith.mulf %dot_general3A_31, %mul3A_32 : vector<256x128xf32>
    %swap3A = arith.constant 0 : index
    %swap3A_34 = arith.constant 0 : index
    %swap3A_35 = vector.load %arg7[%swap3A, %swap3A_34] : memref<256x128xf32, #tpu.memory_space<vmem>>, vector<256x128xf32>
    tpu.vector_store %arg7[%swap3A, %swap3A_34], %mul3A_33 {strides = array<i32>} : memref<256x128xf32, #tpu.memory_space<vmem>>, vector<256x128xf32>,
    return
  }
  func.func @transform_0(%arg0: i32) -> (i32, i32) {
    %c0_i32 = arith.constant 0 : i32
    %c0_i32_0 = arith.constant 0 : i32
    return %arg0, %c0_i32 : i32, i32
  }
  func.func @transform_1(%arg0: i32) -> (i32, i32) {
    %add3A = arith.constant 40 : i32
    %add3A_0 = arith.addi %arg0, %add3A : i32
    %c0_i32 = arith.constant 0 : i32
    %c0_i32_1 = arith.constant 0 : i32
    return %add3A_0, %c0_i32 : i32, i32
  }
  func.func @transform_2(%arg0: i32) -> (i32, i32) {
    %c0_i32 = arith.constant 0 : i32
    %c0_i32_0 = arith.constant 0 : i32
    return %arg0, %c0_i32 : i32, i32
  }
  func.func @transform_3(%arg0: i32) -> i32 {
    %c0_i32 = arith.constant 0 : i32
    return %arg0 : i32
  }
  func.func @transform_4(%arg0: i32) -> i32 {
    %c0_i32 = arith.constant 0 : i32
    %c0_i32_0 = arith.constant 0 : i32
    return %c0_i32 : i32
  }
  func.func @transform_5(%arg0: i32) -> (i32, i32) {
    %c0_i32 = arith.constant 0 : i32
    %c0_i32_0 = arith.constant 0 : i32
    %c0_i32_1 = arith.constant 0 : i32
    return %c0_i32, %c0_i32_0 : i32, i32
  }
  func.func @transform_6(%arg0: i32) -> (i32, i32) {
    %c0_i32 = arith.constant 0 : i32
    %c0_i32_0 = arith.constant 0 : i32
    return %arg0, %c0_i32 : i32, i32
  }
}

module attributes {stable_mosaic.version = 14 : i64} {
  func.func @_tc_a_body(%arg0: i32, %arg1: memref<256x128xf32, #tpu.memory_space<vmem>>, %arg2: memref<128x128xf32, #tpu.memory_space<vmem>>, %arg3: memref<256x128xf32, #tpu.memory_space<vmem>>, %arg4: memref<256x128xf32, #tpu.memory_space<vmem>>, %arg5: memref<256x128xf32, #tpu.memory_space<vmem>>, %arg6: memref<256xf32, #tpu.memory_space<vmem>>) attributes {dimension_semantics = [#tpu.dimension_semantics<arbitrary>], iteration_bounds = array<i64: 40>, scalar_prefetch = 0 : i64, scratch_operands = 0 : i64, tpu.core_type = #tpu.core_type<tc>, window_params = [{transform_indices = @transform_0, window_bounds = array<i64: 256, 128>}, {pipeline_mode = #tpu.pipeline_mode<synchronous>, transform_indices = @transform_1, window_bounds = array<i64: 128, 128>}, {transform_indices = @transform_2, window_bounds = array<i64: 256, 128>}, {transform_indices = @transform_3, window_bounds = array<i64: 256, 128>}, {transform_indices = @transform_4, window_bounds = array<i64: 256, 128>}, {transform_indices = @transform_5, window_bounds = array<i64: 256>}]} {
    %get3A = arith.constant 0 : index
    %get3A_0 = arith.constant 0 : index
    %get3A_1 = vector.load %arg3[%get3A, %get3A_0] : memref<256x128xf32, #tpu.memory_space<vmem>>, vector<256x1xf32>
    %get3A_2 = arith.constant 0 : index
    %get3A_3 = arith.constant 0 : index
    %get3A_4 = vector.load %arg4[%get3A_2, %get3A_3] : memref<256x128xf32, #tpu.memory_space<vmem>>, vector<256x1xf32>
    %add3A = arith.addf %get3A_1, %get3A_4 : vector<256x1xf32>
    %add3A_5 = arith.constant 1.000000e+00 : f32
    %add3A_6 = vector.broadcast %add3A_5 : f32 to vector<256x1xf32>
    %add3A_7 = arith.addf %add3A, %add3A_6 : vector<256x1xf32>
    %rsqrt3A = math.rsqrt %add3A_7 : vector<256x1xf32>
    %get3A_8 = arith.constant 0 : index
    %get3A_9 = arith.constant 0 : index
    %get3A_10 = vector.load %arg1[%get3A_8, %get3A_9] : memref<256x128xf32, #tpu.memory_space<vmem>>, vector<256x128xf32>
    %get3A_11 = arith.constant 0 : index
    %get3A_12 = arith.constant 0 : index
    %get3A_13 = vector.load %arg2[%get3A_11, %get3A_12] : memref<128x128xf32, #tpu.memory_space<vmem>>, vector<128x128xf32>
    %dot_general3A = arith.constant dense<0.000000e+00> : vector<256x128xf32>
    %dot_general3A_14 = tpu.matmul %get3A_10, %get3A_13, %dot_general3A {dimension_numbers = #tpu.dot_dimension_numbers<[1], [0], [0], [1], [0, 0, 1, 1], [], []>, precision = #tpu.contract_precision<fp32>, transpose_lhs_hint = false} : vector<256x128xf32>, vector<128x128xf32>, vector<256x128xf32> -> vector<256x128xf32>
    %mul3A = vector.broadcast %rsqrt3A : vector<256x1xf32> to vector<256x128xf32>
    %mul3A_15 = arith.mulf %dot_general3A_14, %mul3A : vector<256x128xf32>
    %swap3A = arith.constant 0 : index
    %swap3A_16 = arith.constant 0 : index
    %swap3A_17 = vector.load %arg5[%swap3A, %swap3A_16] : memref<256x128xf32, #tpu.memory_space<vmem>>, vector<256x128xf32>
    tpu.vector_store %arg5[%swap3A, %swap3A_16], %mul3A_15 {strides = array<i32>} : memref<256x128xf32, #tpu.memory_space<vmem>>, vector<256x128xf32>,
    %squeeze3A = vector.shape_cast %rsqrt3A : vector<256x1xf32> to vector<256xf32>
    %swap3A_18 = arith.constant 0 : index
    %swap3A_19 = vector.load %arg6[%swap3A_18] : memref<256xf32, #tpu.memory_space<vmem>>, vector<256xf32>
    tpu.vector_store %arg6[%swap3A_18], %squeeze3A {strides = array<i32>} : memref<256xf32, #tpu.memory_space<vmem>>, vector<256xf32>,
    return
  }
  func.func @transform_0(%arg0: i32) -> (i32, i32) {
    %c0_i32 = arith.constant 0 : i32
    %c0_i32_0 = arith.constant 0 : i32
    return %arg0, %c0_i32 : i32, i32
  }
  func.func @transform_1(%arg0: i32) -> (i32, i32) {
    %c0_i32 = arith.constant 0 : i32
    %c0_i32_0 = arith.constant 0 : i32
    %c0_i32_1 = arith.constant 0 : i32
    return %c0_i32, %c0_i32_0 : i32, i32
  }
  func.func @transform_2(%arg0: i32) -> (i32, i32) {
    %c0_i32 = arith.constant 0 : i32
    %c0_i32_0 = arith.constant 0 : i32
    return %arg0, %c0_i32 : i32, i32
  }
  func.func @transform_3(%arg0: i32) -> (i32, i32) {
    %add3A = arith.constant 40 : i32
    %add3A_0 = arith.addi %arg0, %add3A : i32
    %c0_i32 = arith.constant 0 : i32
    %c0_i32_1 = arith.constant 0 : i32
    return %add3A_0, %c0_i32 : i32, i32
  }
  func.func @transform_4(%arg0: i32) -> (i32, i32) {
    %c0_i32 = arith.constant 0 : i32
    %c0_i32_0 = arith.constant 0 : i32
    return %arg0, %c0_i32 : i32, i32
  }
  func.func @transform_5(%arg0: i32) -> i32 {
    %c0_i32 = arith.constant 0 : i32
    return %arg0 : i32
  }
}

module attributes {stable_mosaic.version = 14 : i64} {
  func.func @_tc_c_body(%arg0: i32, %arg1: memref<256x128xf32, #tpu.memory_space<vmem>>, %arg2: memref<256x128xf32, #tpu.memory_space<vmem>>, %arg3: memref<256x128xf32, #tpu.memory_space<vmem>>, %arg4: memref<256xf32, #tpu.memory_space<vmem>>, %arg5: memref<128xf32, #tpu.memory_space<vmem>>, %arg6: memref<256x128xf32, #tpu.memory_space<vmem>>) attributes {dimension_semantics = [#tpu.dimension_semantics<arbitrary>], iteration_bounds = array<i64: 40>, scalar_prefetch = 0 : i64, scratch_operands = 0 : i64, tpu.core_type = #tpu.core_type<tc>, window_params = [{transform_indices = @transform_0, window_bounds = array<i64: 256, 128>}, {transform_indices = @transform_1, window_bounds = array<i64: 256, 128>}, {transform_indices = @transform_2, window_bounds = array<i64: 256, 128>}, {transform_indices = @transform_3, window_bounds = array<i64: 256>}, {pipeline_mode = #tpu.pipeline_mode<synchronous>, transform_indices = @transform_4, window_bounds = array<i64: 128>}, {transform_indices = @transform_5, window_bounds = array<i64: 256, 128>}]} {
    %get3A = arith.constant 0 : index
    %get3A_0 = vector.load %arg4[%get3A] : memref<256xf32, #tpu.memory_space<vmem>>, vector<256xf32>
    %broadcast_in_dim3A = vector.shape_cast %get3A_0 : vector<256xf32> to vector<256x1xf32>
    %get3A_1 = arith.constant 0 : index
    %get3A_2 = arith.constant 0 : index
    %get3A_3 = vector.load %arg1[%get3A_1, %get3A_2] : memref<256x128xf32, #tpu.memory_space<vmem>>, vector<256x128xf32>
    %get3A_4 = arith.constant 0 : index
    %get3A_5 = arith.constant 0 : index
    %get3A_6 = vector.load %arg2[%get3A_4, %get3A_5] : memref<256x128xf32, #tpu.memory_space<vmem>>, vector<256x128xf32>
    %add3A = arith.addf %get3A_3, %get3A_6 : vector<256x128xf32>
    %get3A_7 = arith.constant 0 : index
    %get3A_8 = arith.constant 0 : index
    %get3A_9 = vector.load %arg3[%get3A_7, %get3A_8] : memref<256x128xf32, #tpu.memory_space<vmem>>, vector<256x128xf32>
    %add3A_10 = arith.addf %add3A, %get3A_9 : vector<256x128xf32>
    %mul3A = vector.broadcast %broadcast_in_dim3A : vector<256x1xf32> to vector<256x128xf32>
    %mul3A_11 = arith.mulf %add3A_10, %mul3A : vector<256x128xf32>
    %get3A_12 = arith.constant 0 : index
    %get3A_13 = vector.load %arg5[%get3A_12] : memref<128xf32, #tpu.memory_space<vmem>>, vector<128xf32>
    %broadcast_in_dim3A_14 = vector.shape_cast %get3A_13 : vector<128xf32> to vector<1x128xf32>
    %add3A_15 = vector.broadcast %broadcast_in_dim3A_14 : vector<1x128xf32> to vector<256x128xf32>
    %add3A_16 = arith.addf %mul3A_11, %add3A_15 : vector<256x128xf32>
    %swap3A = arith.constant 0 : index
    %swap3A_17 = arith.constant 0 : index
    %swap3A_18 = vector.load %arg6[%swap3A, %swap3A_17] : memref<256x128xf32, #tpu.memory_space<vmem>>, vector<256x128xf32>
    tpu.vector_store %arg6[%swap3A, %swap3A_17], %add3A_16 {strides = array<i32>} : memref<256x128xf32, #tpu.memory_space<vmem>>, vector<256x128xf32>,
    return
  }
  func.func @transform_0(%arg0: i32) -> (i32, i32) {
    %c0_i32 = arith.constant 0 : i32
    %c0_i32_0 = arith.constant 0 : i32
    return %arg0, %c0_i32 : i32, i32
  }
  func.func @transform_1(%arg0: i32) -> (i32, i32) {
    %add3A = arith.constant 40 : i32
    %add3A_0 = arith.addi %arg0, %add3A : i32
    %c0_i32 = arith.constant 0 : i32
    %c0_i32_1 = arith.constant 0 : i32
    return %add3A_0, %c0_i32 : i32, i32
  }
  func.func @transform_2(%arg0: i32) -> (i32, i32) {
    %c0_i32 = arith.constant 0 : i32
    %c0_i32_0 = arith.constant 0 : i32
    return %arg0, %c0_i32 : i32, i32
  }
  func.func @transform_3(%arg0: i32) -> i32 {
    %c0_i32 = arith.constant 0 : i32
    return %arg0 : i32
  }
  func.func @transform_4(%arg0: i32) -> i32 {
    %c0_i32 = arith.constant 0 : i32
    %c0_i32_0 = arith.constant 0 : i32
    return %c0_i32 : i32
  }
  func.func @transform_5(%arg0: i32) -> (i32, i32) {
    %c0_i32 = arith.constant 0 : i32
    %c0_i32_0 = arith.constant 0 : i32
    return %arg0, %c0_i32 : i32, i32
  }
}

</mosaic_0001>

<sc_bundles>
// kernel: kernel.11.cloned.1.call-start
scs
__scs_entry_jumppad:
0x0: {  	(pc) =	sbr.rel $0x88, $3  }
0x1: {  	(tag) =	ssettag $0x0;
	lr =	simm.s32 $0x1  }
0x2: {  	[smem:$0x3F9B] =	sst lr;
	_ =	strace $0xD0000000  }
0x3: {  	_ = 	snop  }
0x4: {  	_ = 	snop  }
0x5: {  	_ = 	snop  }
0x6: {  	_ = 	snop  }
0x7: {  	_ = 	snop  }
__scs_overlays_trampoline_lowered:
0x8: {  	[smem:$0x3FAA] =	sst s0  }
0x9: {  	[smem:$0x3FAB] =	sst s1  }
0xa: {  	[smem:$0x3FAC] =	sst s2  }
0xb: {  	[smem:$0x3FAD] =	sst s3  }
0xc: {  	[smem:$0x3FAE] =	sst s4  }
0xd: {  	[smem:$0x3FAF] =	sst s5  }
0xe: {  	[smem:$0x3FB0] =	sst s6  }
0xf: {  	[smem:$0x3FB1] =	sst s7  }
0x10: {  	[smem:$0x3FB2] =	sst s8  }
0x11: {  	[smem:$0x3FB3] =	sst s9;
	s0 =	simm.s32 @!p0 $0x0  }
0x12: {  	s1 =	sld [smem:$0x3F99];
	s0 =	simm.s32 @p0 $0x1  }
0x13: {  	[smem:$0x3FB4] =	sst s0;
	s0 =	simm.s32 @!p1 $0x0  }
0x14: {  	s2 =	sld [smem:$0x3F98];
	s0 =	simm.s32 @p1 $0x1  }
0x15: {  	[smem:$0x3FB5] =	sst s0;
	s0 =	simm.s32 @!p2 $0x0  }
0x16: {  	s3 =	sld [smem:$0x3FDB];
	s0 =	simm.s32 @p2 $0x1  }
0x17: {  	s4 =	simm.s32 $0x1BF5;
	[smem:$0x3FB7] =	sst s0  }
0x18: {  	s0 =	sld [smem:$0x3F9A];
	_ =	swait.ge [sflag:s4], $0x0  }
0x19: {  	s7 =	sld [smem:$0x3F9B]  }
0x1a: {  	s8 =	sadd.s32 $0xFFFFE003, lr  }
0x1b: {  	s9 =	sadd.s32 $0xFFFFFEF7, lr;
	s5 =	simm.s32 $0xFFFFFFFF;
	p2 =	slt.u32 s8, $0xFFFFF086  }
0x1c: {  	p1 =	slt.u32 s9, $0xF7A;
	s5 =	simm.s32 @!p2 $0x0  }
0x1d: {  	s5 =	simm.s32 @p1 $0x1;
	p0 =	seq.s32 s7, s2  }
0x1e: {  	s7 =	smul.u32 @!p0 $0xF7A, s2;
	p2 =	seq.s32 @!p0 s5, $0x0  }
0x1f: {  	s9 =	smul.u32 $0xF7A, s1;
	s8 =	simm.s32 @!p0 $0x1BF5;
	p2 =	por !p2, p0  }
0x20: {  	[sflag:s8] =	ssyncset.s32 @!p0 $0xFFFFF086;
	s6 =	sadd.s32 @!p0 s3, s7;
	s7 =	simm.s32 @!p0 $0x108  }
0x21: {  	s3 =	sadd.s32 s3, s9;
	s6 =	sadd.s32 @!p0 $0x88, s6;
	s7 =	simm.s32 @p2 $0x1082  }
0x22: {  	[simem:s7], [sflag:s8] =	dma.local @!p0 [hbm:s6], $0xF7A  }
0x23: {  	s9 =	sor.u32 $0xD0000000, s2;
	s6 =	simm.s32 $0x108;
	_ =	swait.ge @!p0 [sflag:s8], $0x0  }
0x24: {  	s3 =	sadd.s32 $0x88, s3;
	s6 =	simm.s32 @!p1 $0x1082;
	[sflag:s4] =	ssyncset.s32 $0xFFFFF086  }
0x25: {  	[simem:s6], [sflag:s4] =	dma.local [hbm:s3], $0xF7A  }
0x26: {  	[smem:$0x3F9B] =	sst s1;
	(tag) =	ssettag s2;
	_ =	strace s9  }
0x27: {  	s1 =	sld [smem:$0x3FAB]  }
0x28: {  	s2 =	sld [smem:$0x3FAC]  }
0x29: {  	s4 =	sld [smem:$0x3FAE]  }
0x2a: {  	p0 =	seq.s32 s5, $0x0;
	s5 =	sld [smem:$0x3FAF]  }
0x2b: {  	s6 =	sld [smem:$0x3FB0]  }
0x2c: {  	s7 =	sld [smem:$0x3FB1]  }
0x2d: {  	s3 =	simm.s32 $0x108;
	s8 =	sld [smem:$0x3FB2]  }
0x2e: {  	s3 =	simm.s32 @!p0 $0x1082;
	s9 =	sld [smem:$0x3FB3]  }
0x2f: {  	lr =	sadd.s32 s0, s3;
	s0 =	sld [smem:$0x3FAA]  }
0x30: {  	s3 =	sld [smem:$0x3FAD]  }
0x31: {  	[smem:$0x3FB6] =	sst s10  }
0x32: {  	s10 =	sld [smem:$0x3FB4];
	_ =	sdelay $0x3  }
0x33: {  	p0 =	seq.s32 s10, $0x1;
	s10 =	sld [smem:$0x3FB6];
	_ =	sdelay $0x3  }
0x34: {  	[smem:$0x3FB6] =	sst s10  }
0x35: {  	s10 =	sld [smem:$0x3FB5];
	_ =	sdelay $0x3  }
0x36: {  	p1 =	seq.s32 s10, $0x1;
	s10 =	sld [smem:$0x3FB6];
	_ =	sdelay $0x3  }
0x37: {  	[smem:$0x3FB6] =	sst s10  }
0x38: {  	s10 =	sld [smem:$0x3FB7]  }
0x39: {  	_ = 	snop;
	(pc) =	sbr.ind lr, $3  }
0x3a: {  	_ = 	snop  }
0x3b: {  	_ = 	snop  }
0x3c: {  	p2 =	seq.s32 s10, $0x1;
	s10 =	sld [smem:$0x3FB6]  }
0x3d: {  	_ =	shalt  }
0x3e: {  	_ =	shalt  }
0x3f: {  	_ =	shalt  }
0x40: {  	_ =	shalt  }
0x41: {  	_ =	shalt  }
0x42: {  	_ =	shalt  }
0x43: {  	_ =	shalt  }
0x44: {  	_ =	shalt  }
0x45: {  	_ =	shalt  }
0x46: {  	_ =	shalt  }
0x47: {  	_ =	shalt  }
0x48: {  	_ =	shalt  }
0x49: {  	_ =	shalt  }
0x4a: {  	_ =	shalt  }
0x4b: {  	_ =	shalt  }
0x4c: {  	_ =	shalt  }
0x4d: {  	_ =	shalt  }
0x4e: {  	_ =	shalt  }
0x4f: {  	_ =	shalt  }
0x50: {  	_ =	shalt  }
0x51: {  	_ =	shalt  }
0x52: {  	_ =	shalt  }
0x53: {  	_ =	shalt  }
0x54: {  	_ =	shalt  }
0x55: {  	_ =	shalt  }
0x56: {  	_ =	shalt  }
0x57: {  	_ =	shalt  }
0x58: {  	_ =	shalt  }
0x59: {  	_ =	shalt  }
0x5a: {  	_ =	shalt  }
0x5b: {  	_ =	shalt  }
0x5c: {  	_ =	shalt  }
0x5d: {  	_ =	shalt  }
0x5e: {  	_ =	shalt  }
0x5f: {  	_ =	shalt  }
0x60: {  	_ =	shalt  }
0x61: {  	_ =	shalt  }
0x62: {  	_ =	shalt  }
0x63: {  	_ =	shalt  }
0x64: {  	_ =	shalt  }
0x65: {  	_ =	shalt  }
0x66: {  	_ =	shalt  }
0x67: {  	_ =	shalt  }
0x68: {  	_ =	shalt  }
0x69: {  	_ =	shalt  }
0x6a: {  	_ =	shalt  }
0x6b: {  	_ =	shalt  }
0x6c: {  	_ =	shalt  }
0x6d: {  	_ =	shalt  }
0x6e: {  	_ =	shalt  }
0x6f: {  	_ =	shalt  }
0x70: {  	_ =	shalt  }
0x71: {  	_ =	shalt  }
0x72: {  	_ =	shalt  }
0x73: {  	_ =	shalt  }
0x74: {  	_ =	shalt  }
0x75: {  	_ =	shalt  }
0x76: {  	_ =	shalt  }
0x77: {  	_ =	shalt  }
0x78: {  	_ =	shalt  }
0x79: {  	_ =	shalt  }
0x7a: {  	_ =	shalt  }
0x7b: {  	_ =	shalt  }
0x7c: {  	_ =	shalt  }
0x7d: {  	_ =	shalt  }
0x7e: {  	_ =	shalt  }
0x7f: {  	_ =	shalt  }
0x80: {  	_ =	shalt  }
0x81: {  	_ =	shalt  }
0x82: {  	_ =	shalt  }
0x83: {  	_ =	shalt  }
0x84: {  	_ =	shalt  }
0x85: {  	_ =	shalt  }
0x86: {  	_ =	shalt  }
0x87: {  	_ =	shalt  }
.Lfunc_end0:
.L_simem_size_0:
called_computation.1_lowered:
.L_overlay_start_0:
0x88: {  	s2 =	sld [smem:$0x3FD9]  }
0x89: {  	s3 =	sld [smem:$0x3FFE];
	_ =	sdelay $0x1  }
0x8a: {  	s1 =	srdreg.scid  }
0x8b: {  	s0 =	sand.u32 $0x1, s1  }
0x8c: {  	s17 =	sshll.u32 s0, $0xA;
	s2 =	sadd.s32 s3, s2  }
0x8d: {  	s2 =	sadd.s32 s2, s17  }
0x8e: {  	[smem:$0x3FC2] =	sst s2  }
0x8f: {  	_ = 	snop  }
0x90: {  	s2 =	sld [smem:$0x3FD0];
	(tm) =	ssettm $0x1  }
0x91: {  	s18 =	sld [smem:$0x3FFB];
	_ =	sdelay $0x3  }
0x92: {  	_ =	strace s18  }
0x93: {  	s3 =	sld [smem:$0x3FFC];
	_ =	sdelay $0x3  }
0x94: {  	_ =	strace s3  }
0x95: {  	s3 =	sld [smem:$0x3FFD];
	_ =	sdelay $0x3  }
0x96: {  	_ =	strace s3  }
0x97: {  	_ =	strace $0x8FFFFFFF  }
0x98: {  	s19 =	sld [smem:$0x3FDB];
	_ =	sdelay $0x1  }
0x99: {  	s4 =	simm.s32 $_scs_section_size  }
0x9a: {  	s5 =	simm.s32 $_size__tile_overlayer_lowered;
	s6 =	simm.s32 $_tile_overlayer_lowered  }
0x9b: {  	s22 =	simm.s32 $0x1BFF;
	s21 =	sshll.u32 s6, $0x1;
	s3 =	sadd.s32 s4, s19  }
0x9c: {  	s7 =	simm.s32 $0x0;
	s20 =	sshll.u32 s5, $0x1;
	s5 =	sadd.s32 s21, s3  }
0x9d: {  	[timem:s7], [sflag:s22] =	dma.local [hbm:s5], s20  }
0x9e: {  	_ =	swait.ge [sflag:s22], s20  }
0x9f: {  	s4 =	ssub.s32 $0x0, s20;
	[sflag:s22] =	ssyncset.done $0x0  }
0xa0: {  	[sflag:s22] =	ssyncadd.s32 s4;
	_ =	sdelay $0x1  }
0xa1: {  	s23 =	simm.s32 $0x1B8B  }
0xa2: {  	_ =	swait.ge [sflag:s23], $0x1  }
0xa3: {  	[sflag:s23] =	ssyncset.done $0x0  }
0xa4: {  	s25 =	simm.s32 $0x1B8E;
	s24 =	sld [smem:$0x3FFE];
	[sflag:s23] =	ssyncadd.s32 $0xFFFFFFFF  }
0xa5: {  	s26 =	simm.s32 $execute0_lowered;
	[smem:$0x3FD2] =	sst s25  }
0xa6: {  	s5 =	sshll.u32 s26, $0x1;
	_ =	strace $0x80000049;
	[dreg:$0x1] =	wrdreg $0xFFFFFFFF  }
0xa7: {  	s28 =	simm.s32 $_size_execute0_lowered;
	s3 =	sadd.s32 s3, s5;
	[dreg:$0x0] =	wrdreg $0x0  }
0xa8: {  	s5 =	sshll.u32 s28, $0x1;
	[dreg:$0x2] =	wrdreg s3  }
0xa9: {  	[dreg:$0x3] =	wrdreg s5  }
0xaa: {  	[dreg:$0x4] =	wrdreg $0xC0  }
0xab: {  	_ =	task [dreg:s7], $0x5FFFF  }
0xac: {  	[dreg:$0x1] =	wrdreg $0xFFFFFFFF  }
0xad: {  	[dreg:$0x0] =	wrdreg $0x60  }
0xae: {  	[dreg:$0x2] =	wrdreg s24  }
0xaf: {  	[dreg:$0x3] =	wrdreg s2  }
0xb0: {  	[dreg:$0x4] =	wrdreg $0xA8000  }
0xb1: {  	[dreg:$0x5] =	wrdreg $0x9  }
0xb2: {  	_ =	task.clear_ibuf [dreg:s7], $0x6FFFF;
	_ =	strace $0x90000049  }
0xb3: {  	s29 =	simm.s32 $0x9;
	_ =	strace $0x8000004B  }
0xb4: {  	_ =	swait.ge [sflag:s29], $0x1  }
0xb5: {  	[sflag:s29] =	ssyncadd.s32 $0xFFFFFFFF  }
0xb6: {  	_ =	strace $0x9000004B  }
0xb7: {  	_ =	sfence  }
0xb8: {  	s30 =	sld [smem:$0x0];
	_ =	sdelay $0x2  }
0xb9: {  	s31 =	sshll.u32 s1, $0xD;
	s1 =	sshrl.u32 s1, $0x2  }
0xba: {  	s3 =	sand.u32 $0x4000, s31;
	s1 =	sadd.s32 s1, s30  }
0xbb: {  	s0 =	sor.u32 s3, s0;
	s1 =	sshll.u32 s1, $0x11  }
0xbc: {  	s0 =	sor.u32 s1, s0  }
0xbd: {  	s0 =	sadd.s32 $0x8F2B, s0  }
0xbe: {  	[sflag:s0] =	ssyncadd.remote.s32 $0x1  }
0xbf: {  	_ =	sfence.sel $0xFFFF  }
0xc0: {  	[dreg:$0x0] =	wrdreg $0xFFFFFFFF;
	(pc) =	sbr.abs _section_cstart, $3  }
0xc1: {  	[dreg:$0x1] =	wrdreg $0xFFFFFFFF  }
0xc2: {  	_ =	task.clear_ibuf [dreg:s7], $0x2FFFF;
	_ =	strace $0x9FFFFFFF  }
0xc3: {  	(tm) =	ssettm $0x7FFFFFFF  }
tec
execute0_lowered:
.L_overlay_start_1:
0x0: {  	(tag) =	ssettag $0x1  }
0x1: {  	s5 =	rddreg [dreg:$0x0]  }
0x2: {  	s14 =	rddreg [dreg:$0x1]  }
0x3: {  	s2 =	rddreg [dreg:$0x2]  }
0x4: {  	s4 =	srdreg.scid;
	s0 =	stileid.u32;
	s3 =	simm.s32 $0x0  }
0x5: {  	s20 =	simm.s32 $0x2700;
	s21 =	simm.s32 $0x80;
	s22 =	simm.s32 $0x2780  }
0x6: {  	s23 =	simm.s32 $0x6800;
	s24 =	simm.s32 $0x1;
	s25 =	simm.s32 $0x3  }
0x7: {  	s28 =	simm.s32 $0x0;
	s10 =	sand.u32 $0x1, s4;
	s6 =	smul.u32 $0x2800, s0  }
0x8: {  	[smem:$0x7FF] =	sst s3;
	s4 =	sadd.s32 $0xC200, s5;
	s8 =	smul.u32 $0x50000, s0  }
0x9: {  	s26 =	sshll.u32 s0, $0x1;
	s17 =	sadd.s32 $0x2400, s5;
	s13 =	smul.u32 $0x9C, s0  }
0xa: {  	p0 =	sgt.u32 s0, $0x1;
	s7 =	smul.u32 $0x28000, s10;
	_ =	strace $0x8000004A  }
0xb: {  	s29 =	sor.u32 s10, s26;
	s30 =	ssub.s32 $0x2, s10;
	s19 =	smul.u32 $0x4E, s10  }
0xc: {  	s26 =	simm.s32 $0x2;
	s8 =	sshrl.u32 s8, $0x2;
	s9 =	sshrl.u32 s30, $0x1  }
0xd: {  	s12 =	smin.u32 s29, $0x4;
	s6 =	sadd.s32 s6, s7;
	s7 =	smul.u32 $0x4E, s29  }
0xe: {  	s16 =	ssub.s32 s30, s9;
	s13 =	sadd.s32 s13, s12;
	s15 =	sadd.s32 s6, s5  }
0xf: {  	s5 =	sadd.s32 s8, s2;
	s19 =	sadd.s32 s19, s13;
	s16 =	smax.u32 s16, $0x1  }
0x10: {  	s11 =	sadd.s32 s12, s7;
	s6 =	sadd.s32 $0x4000, s5;
	s7 =	sadd.s32 $0x8000, s5  }
0x11: {  	s8 =	sadd.s32 $0xC000, s5;
	s9 =	sadd.s32 $0x10000, s5;
	s31 =	sshll.u32 s19, $0x4  }
0x12: {  	s15 =	sadd.s32 $0x34200, s15;
	s19 =	simm.s32 $0x4;
	s18 =	sshll.u32 s11, $0x4  }
0x13: {  	s10 =	sadd.s32 s14, s18;
	s11 =	sadd.s32 s17, s18;
	s18 =	sadd.s32 $0x4E0, s18  }
0x14: {  	s12 =	sadd.s32 $0x10, s11;
	s13 =	sadd.s32 s17, s18;
	s17 =	sadd.s32 s31, s17  }
0x15: {  	v0 =	vimm.f32 $0.0e+00;
	s14 =	sadd.s32 s14, s18;
	s18 =	simm.s32 $0x2800;
	s17 =	sadd.s32 $0x20, s17  }
.LBB2_1:
0x16: {  	s29 =	simm.s32 $0x0;
	s30 =	simm.s32 $0x200  }
.LBB2_2:
0x17: {  	p1 =	sne.s32 s30, $0xFE00;
	[tilespmem:s29+$0x2870] =	vst v0  }
0x18: {  	[tilespmem:s29+$0x2800] =	vst v0  }
0x19: {  	[tilespmem:s29+$0x2810] =	vst v0  }
.Ltmp0:
0x1a: {  	[tilespmem:s29+$0x2820] =	vst v0;
	(pc) =	sbr.rel @p1 .LBB2_2-.Ltmp0, $4  }
0x1b: {  	[tilespmem:s29+$0x2830] =	vst v0  }
0x1c: {  	[tilespmem:s29+$0x2840] =	vst v0  }
0x1d: {  	[tilespmem:s29+$0x2850] =	vst v0  }
0x1e: {  	[tilespmem:s29+$0x2860] =	vst v0;
	s29 =	sshra.s32 s30, $0x2;
	s30 =	sadd.s32 $0x200, s30  }
0x1f: {  	[tilespmem:s29+$0x2870] =	vst v0  }
0x20: {  	[tilespmem:s29+$0x2800] =	vst v0  }
0x21: {  	[tilespmem:s29+$0x2810] =	vst v0  }
0x22: {  	[tilespmem:s29+$0x2820] =	vst v0  }
0x23: {  	[tilespmem:s29+$0x2830] =	vst v0  }
0x24: {  	[tilespmem:s29+$0x2840] =	vst v0  }
0x25: {  	[tilespmem:s29+$0x2850] =	vst v0  }
0x26: {  	[tilespmem:s29+$0x2860] =	vst v0  }
0x27: {  	[spmem:s5] =	stream.linear.scatter [tilespmem:s18], [sflag:$0x4], $0x4000, $0x38;
	[tilespmem:$0x1E800] =	vst v63  }
0x28: {  	_ =	swait.ge [sflag:s19], $0x4000  }
0x29: {  	[sflag:s19] =	ssyncset.done $0x0  }
0x2a: {  	[sflag:s19] =	ssyncadd.s32 $0xFFFFC000  }
0x2b: {  	[spmem:s6] =	stream.linear.scatter [tilespmem:s18], [sflag:$0x4], $0x4000, $0x38;
	[tilespmem:$0x1E800] =	vst v63  }
0x2c: {  	_ =	swait.ge [sflag:s19], $0x4000  }
0x2d: {  	[sflag:s19] =	ssyncset.done $0x0  }
0x2e: {  	[sflag:s19] =	ssyncadd.s32 $0xFFFFC000  }
0x2f: {  	[spmem:s7] =	stream.linear.scatter [tilespmem:s18], [sflag:$0x4], $0x4000, $0x38;
	[tilespmem:$0x1E800] =	vst v63  }
0x30: {  	_ =	swait.ge [sflag:s19], $0x4000  }
0x31: {  	[sflag:s19] =	ssyncset.done $0x0  }
0x32: {  	[sflag:s19] =	ssyncadd.s32 $0xFFFFC000  }
0x33: {  	[spmem:s8] =	stream.linear.scatter [tilespmem:s18], [sflag:$0x4], $0x4000, $0x38;
	[tilespmem:$0x1E800] =	vst v63  }
0x34: {  	_ =	swait.ge [sflag:s19], $0x4000  }
0x35: {  	[sflag:s19] =	ssyncset.done $0x0  }
0x36: {  	[sflag:s19] =	ssyncadd.s32 $0xFFFFC000  }
0x37: {  	[spmem:s9] =	stream.linear.scatter [tilespmem:s18], [sflag:$0x4], $0x4000, $0x38;
	[tilespmem:$0x1E800] =	vst v63  }
0x38: {  	_ =	swait.ge [sflag:s19], $0x4000  }
0x39: {  	[sflag:s19] =	ssyncset.done $0x0  }
0x3a: {  	[sflag:s19] =	ssyncadd.s32 $0xFFFFC000  }
0x3b: {  	[tilespmem:s3], [sflag:$0x4] =	stream.linear.gather [hbm4b:s10+s3], $0x2700, $0x38;
	[tilespmem:$0x1E800] =	vst v63  }
0x3c: {  	_ =	swait.ge [sflag:s19], $0x2700  }
0x3d: {  	[sflag:s19] =	ssyncset.done $0x0  }
0x3e: {  	[sflag:s19] =	ssyncadd.s32 $0xFFFFD900  }
0x3f: {  	[bflag:$0x0] =	sbarrier.arrive $0xFFFF  }
0x40: {  	[tilespmem:s20], [sflag:$0x1] =	stream.linear.gather [hbm4b:s11+s3], $0x80, $0x38;
	[tilespmem:$0x1E800] =	vst v63  }
0x41: {  	_ = 	snop  }
0x42: {  	[tilespmem:s18], [sflag:$0x3] =	stream.indirect.gather [hbm4b:s4+s21], $0x80, s3, s21, $0xb8;
	[tilespmem:$0x1E800] =	vst v63  }
0x43: {  	_ = 	snop  }
0x44: {  	[tilespmem:s22], [sflag:$0x2] =	stream.linear.gather [hbm4b:s12+s3], $0x80, $0x38;
	[tilespmem:$0x1E800] =	vst v63  }
0x45: {  	_ = 	snop  }
0x46: {  	[tilespmem:s23], [sflag:$0x3] =	stream.indirect.gather [hbm4b:s4+s21], $0x80, s21, s21, $0xb8;
	[tilespmem:$0x1E800] =	vst v63  }
0x47: {  	_ =	swait.ge [sflag:s24], $0x80  }
0x48: {  	[sflag:s24] =	ssyncset.done $0x0  }
0x49: {  	[sflag:s24] =	ssyncadd.s32 $0xFFFFFF80  }
0x4a: {  	_ =	swait.ge [sflag:s25], $0x4000  }
0x4b: {  	[sflag:s25] =	ssyncset.done $0x0  }
0x4c: {  	[sflag:s25] =	ssyncadd.s32 $0xFFFFC000  }
0x4d: {  	[spmem:s2] =	stream.indirect.scatter.add.f32 [tilespmem:s18], [sflag:$0x4], $0x80, s20, s21, $0xb8;
	[tilespmem:$0x1E800] =	vst v63  }
0x4e: {  	_ =	swait.ge [sflag:s19], $0x4000  }
0x4f: {  	[sflag:s19] =	ssyncset.done $0x0  }
0x50: {  	[sflag:s19] =	ssyncadd.s32 $0xFFFFC000  }
0x51: {  	[tilespmem:s20], [sflag:$0x1] =	stream.linear.gather [hbm4b:s17+s3], $0x80, $0x38;
	[tilespmem:$0x1E800] =	vst v63  }
0x52: {  	s29 =	simm.s32 $0x100  }
0x53: {  	[tilespmem:s18], [sflag:$0x3] =	stream.indirect.gather [hbm4b:s4+s21], $0x80, s29, s21, $0xb8;
	[tilespmem:$0x1E800] =	vst v63  }
0x54: {  	_ =	swait.ge [sflag:s26], $0x80  }
0x55: {  	[sflag:s26] =	ssyncset.done $0x0  }
0x56: {  	[sflag:s26] =	ssyncadd.s32 $0xFFFFFF80  }
0x57: {  	_ =	swait.ge [sflag:s25], $0x4000  }
0x58: {  	[sflag:s25] =	ssyncset.done $0x0  }
0x59: {  	[sflag:s25] =	ssyncadd.s32 $0xFFFFC000  }
0x5a: {  	[spmem:s2] =	stream.indirect.scatter.add.f32 [tilespmem:s23], [sflag:$0x4], $0x80, s22, s21, $0xb8;
	[tilespmem:$0x1E800] =	vst v63  }
0x5b: {  	_ =	swait.ge [sflag:s19], $0x4000  }
0x5c: {  	[sflag:s19] =	ssyncset.done $0x0  }
0x5d: {  	s29 =	sadd.s32 $0x10, s17;
	[sflag:s19] =	ssyncadd.s32 $0xFFFFC000  }
0x5e: {  	[tilespmem:s22], [sflag:$0x2] =	stream.linear.gather [hbm4b:s29+s3], $0x80, $0x38;
	[tilespmem:$0x1E800] =	vst v63  }
0x5f: {  	s31 =	simm.s32 $0x180;
	s30 =	sadd.s32 $0x20, s17;
	s29 =	simm.s32 $0xFFFF6C00  }
.LBB2_4:
0x60: {  	[tilespmem:s23], [sflag:$0x3] =	stream.indirect.gather [hbm4b:s4+s21], $0x80, s31, s21, $0xb8;
	[tilespmem:$0x1E800] =	vst v63  }
0x61: {  	s31 =	smov.u32 s29  }
0x62: {  	p1 =	sne.s32 s29, $0xFFFFFC00;
	s29 =	sadd.s32 $0x400, s29;
	_ =	swait.ge [sflag:s24], $0x80  }
0x63: {  	[sflag:s24] =	ssyncset.done $0x0  }
0x64: {  	[sflag:s24] =	ssyncadd.s32 $0xFFFFFF80  }
0x65: {  	_ =	swait.ge [sflag:s25], $0x4000  }
0x66: {  	[sflag:s25] =	ssyncset.done $0x0  }
0x67: {  	[sflag:s25] =	ssyncadd.s32 $0xFFFFC000  }
0x68: {  	[spmem:s2] =	stream.indirect.scatter.add.f32 [tilespmem:s18], [sflag:$0x4], $0x80, s20, s21, $0xb8;
	[tilespmem:$0x1E800] =	vst v63  }
0x69: {  	_ =	swait.ge [sflag:s19], $0x4000  }
0x6a: {  	[sflag:s19] =	ssyncset.done $0x0  }
0x6b: {  	s31 =	sshra.s32 s31, $0x2;
	[sflag:s19] =	ssyncadd.s32 $0xFFFFC000  }
0x6c: {  	[tilespmem:s20], [sflag:$0x1] =	stream.linear.gather [hbm4b:s30+s3], $0x80, $0x38;
	[tilespmem:$0x1E800] =	vst v63  }
0x6d: {  	s0 =	sadd.s32 $0x2700, s31  }
0x6e: {  	[tilespmem:s18], [sflag:$0x3] =	stream.indirect.gather [hbm4b:s4+s21], $0x80, s0, s21, $0xb8;
	[tilespmem:$0x1E800] =	vst v63  }
0x6f: {  	_ =	swait.ge [sflag:s26], $0x80  }
0x70: {  	[sflag:s26] =	ssyncset.done $0x0  }
0x71: {  	[sflag:s26] =	ssyncadd.s32 $0xFFFFFF80  }
0x72: {  	_ =	swait.ge [sflag:s25], $0x4000  }
0x73: {  	[sflag:s25] =	ssyncset.done $0x0  }
0x74: {  	[sflag:s25] =	ssyncadd.s32 $0xFFFFC000  }
0x75: {  	[spmem:s2] =	stream.indirect.scatter.add.f32 [tilespmem:s23], [sflag:$0x4], $0x80, s22, s21, $0xb8;
	[tilespmem:$0x1E800] =	vst v63  }
.Ltmp1:
0x76: {  	_ =	swait.ge [sflag:s19], $0x4000;
	(pc) =	sbr.rel @p1 .LBB2_4-.Ltmp1, $4  }
0x77: {  	[sflag:s19] =	ssyncset.done $0x0  }
0x78: {  	s0 =	sadd.s32 $0x10, s30;
	[sflag:s19] =	ssyncadd.s32 $0xFFFFC000  }
0x79: {  	[tilespmem:s22], [sflag:$0x2] =	stream.linear.gather [hbm4b:s0+s3], $0x80, $0x38;
	[tilespmem:$0x1E800] =	vst v63  }
0x7a: {  	s31 =	sadd.s32 $0x2780, s31;
	s30 =	sadd.s32 $0x20, s30  }
0x7b: {  	[tilespmem:s23], [sflag:$0x3] =	stream.indirect.gather [hbm4b:s4+s21], $0x80, s31, s21, $0xb8;
	[tilespmem:$0x1E800] =	vst v63  }
0x7c: {  	_ =	swait.ge [sflag:s24], $0x80  }
0x7d: {  	[sflag:s24] =	ssyncset.done $0x0  }
0x7e: {  	[sflag:s24] =	ssyncadd.s32 $0xFFFFFF80  }
0x7f: {  	_ =	swait.ge [sflag:s25], $0x4000  }
0x80: {  	[sflag:s25] =	ssyncset.done $0x0  }
0x81: {  	[sflag:s25] =	ssyncadd.s32 $0xFFFFC000  }
0x82: {  	[spmem:s2] =	stream.indirect.scatter.add.f32 [tilespmem:s18], [sflag:$0x4], $0x80, s20, s21, $0xb8;
	[tilespmem:$0x1E800] =	vst v63  }
0x83: {  	_ =	swait.ge [sflag:s19], $0x4000  }
0x84: {  	[sflag:s19] =	ssyncset.done $0x0  }
0x85: {  	[sflag:s19] =	ssyncadd.s32 $0xFFFFC000  }
0x86: {  	_ =	swait.ge [sflag:s26], $0x80  }
0x87: {  	[sflag:s26] =	ssyncset.done $0x0  }
0x88: {  	[sflag:s26] =	ssyncadd.s32 $0xFFFFFF80  }
0x89: {  	_ =	swait.ge [sflag:s25], $0x4000  }
0x8a: {  	[sflag:s25] =	ssyncset.done $0x0  }
0x8b: {  	[sflag:s25] =	ssyncadd.s32 $0xFFFFC000  }
0x8c: {  	[spmem:s2] =	stream.indirect.scatter.add.f32 [tilespmem:s23], [sflag:$0x4], $0x80, s22, s21, $0xb8;
	[tilespmem:$0x1E800] =	vst v63  }
0x8d: {  	_ =	swait.ge [sflag:s19], $0x4000  }
0x8e: {  	s0 =	simm.s32 @!p0 $0x0;
	[sflag:s19] =	ssyncset.done $0x0  }
0x8f: {  	s29 =	simm.s32 @!p0 $0x2700;
	s30 =	simm.s32 @!p0 $0x4;
	[sflag:s19] =	ssyncadd.s32 $0xFFFFC000  }
0x90: {  	[tilespmem:s29], [sflag:$0x4] =	stream.linear.gather @!p0 [hbm4b:s13+s0], $0x80, $0x38;
	[tilespmem:$0x1E800] =	vst v63  }
0x91: {  	_ =	swait.ge @!p0 [sflag:s30], $0x80  }
0x92: {  	[sflag:s30] =	ssyncset.done @!p0 $0x0  }
0x93: {  	s31 =	simm.s32 @!p0 $0x2780;
	[sflag:s30] =	ssyncadd.s32 @!p0 $0xFFFFFF80  }
0x94: {  	[tilespmem:s31], [sflag:$0x4] =	stream.linear.gather @!p0 [hbm4b:s14+s0], $0x80, $0x38;
	[tilespmem:$0x1E800] =	vst v63  }
0x95: {  	_ =	swait.ge @!p0 [sflag:s30], $0x80  }
0x96: {  	[sflag:s30] =	ssyncset.done @!p0 $0x0  }
0x97: {  	s1 =	simm.s32 @!p0 $0x2800;
	s0 =	simm.s32 @!p0 $0x80;
	[sflag:s30] =	ssyncadd.s32 @!p0 $0xFFFFFF80  }
0x98: {  	[tilespmem:s1], [sflag:$0x3] =	stream.indirect.gather @!p0 [hbm4b:s4+s0], $0x80, s31, s0, $0xb8;
	[tilespmem:$0x1E800] =	vst v63  }
0x99: {  	s31 =	simm.s32 @!p0 $0x3  }
0x9a: {  	_ =	swait.ge @!p0 [sflag:s31], $0x4000  }
0x9b: {  	[sflag:s31] =	ssyncset.done @!p0 $0x0  }
0x9c: {  	[sflag:s31] =	ssyncadd.s32 @!p0 $0xFFFFC000  }
0x9d: {  	[spmem:s2] =	stream.indirect.scatter.add.f32 @!p0 [tilespmem:s1], [sflag:$0x4], $0x80, s29, s0, $0xb8;
	[tilespmem:$0x1E800] =	vst v63  }
0x9e: {  	_ =	swait.ge @!p0 [sflag:s30], $0x4000  }
0x9f: {  	[sflag:s30] =	ssyncset.done @!p0 $0x0  }
0xa0: {  	s28 =	sadd.s32 $0x1, s28;
	[sflag:s30] =	ssyncadd.s32 @!p0 $0xFFFFC000;
	s30 =	stileid.u32  }
0xa1: {  	p1 =	sne.s32 s28, s16;
	s31 =	sshrl.u32 s5, $0x3;
	s0 =	sshll.u32 s30, $0x6  }
.Ltmp2:
0xa2: {  	[bflag:$0x0] =	sbarrier.arrive $0xFFFF;
	s0 =	sor.u32 $0x1C04, s0;
	(pc) =	sbr.rel @p1 .LBB2_1-.Ltmp2, $4  }
0xa3: {  	[hbm:s15], [sflag:s0] =	dma.local [spmem:s31], $0x2800  }
0xa4: {  	_ =	swait.ge [sflag:s19], $0x2800  }
0xa5: {  	[sflag:s19] =	ssyncset.done $0x0  }
0xa6: {  	[sflag:s19] =	ssyncadd.s32 $0xFFFFD800  }
0xa7: {  	_ =	sfence.sel $0x180000  }
0xa8: {  	[bflag:$0x0] =	sbarrier.arrive $0xFFFF  }
0xa9: {  	_ =	strace $0x9000004A  }
0xaa: {  	s0 =	stileid.u32;
	[bflag:$0x2] =	sbarrier.arrive $0xFFFF  }
0xab: {  	p0 =	sne.s32 s0, $0x0;
	s0 =	rddreg [dreg:$0x3]  }
0xac: {  	s0 =	sadd.s32 @!p0 $0x100000, s0  }
0xad: {  	[sflag:s0] =	ssyncadd.tile.s32 @!p0 $0x1;
	_ =	shalt  }
.Lfunc_end2:
_tile_overlayer_lowered:
.L_overlay_start_2:
0xae: {  	(tag) =	ssettag $0x2  }
0xaf: {  	s0 =	rddreg [dreg:$0x0];
	s2 =	stileid.u32  }
0xb0: {  	s1 =	rddreg [dreg:$0x1];
	p0 =	sne.s32 s2, $0x0  }
0xb1: {  	s3 =	rddreg [dreg:$0x2];
	[bflag:$0x3] =	sbarrier.arrive $0xFFFF;
	s2 =	simm.s32 @!p0 $0x1C04  }
0xb2: {  	[timem:s3], [sflag:s2] =	dma.local @!p0 [hbm:s0], s1  }
0xb3: {  	s0 =	simm.s32 @!p0 $0x4  }
0xb4: {  	_ =	swait.ge @!p0 [sflag:s0], s1  }
0xb5: {  	s1 =	ssub.s32 @!p0 $0x0, s1;
	[sflag:s0] =	ssyncset.done @!p0 $0x0  }
0xb6: {  	[sflag:s0] =	ssyncadd.s32 @!p0 s1  }
0xb7: {  	[bflag:$0x3] =	sbarrier.arrive $0xFFFF  }
0xb8: {  	_ =	shalt  }

// kernel: kernel.14.cloned.1.call-start
scs
__scs_entry_jumppad:
0x0: {  	(pc) =	sbr.rel $0x88, $3  }
0x1: {  	(tag) =	ssettag $0x0;
	lr =	simm.s32 $0x1  }
0x2: {  	[smem:$0x3F9B] =	sst lr;
	_ =	strace $0xD0000000  }
0x3: {  	_ = 	snop  }
0x4: {  	_ = 	snop  }
0x5: {  	_ = 	snop  }
0x6: {  	_ = 	snop  }
0x7: {  	_ = 	snop  }
__scs_overlays_trampoline_lowered:
0x8: {  	[smem:$0x3FAA] =	sst s0  }
0x9: {  	[smem:$0x3FAB] =	sst s1  }
0xa: {  	[smem:$0x3FAC] =	sst s2  }
0xb: {  	[smem:$0x3FAD] =	sst s3  }
0xc: {  	[smem:$0x3FAE] =	sst s4  }
0xd: {  	[smem:$0x3FAF] =	sst s5  }
0xe: {  	[smem:$0x3FB0] =	sst s6  }
0xf: {  	[smem:$0x3FB1] =	sst s7  }
0x10: {  	[smem:$0x3FB2] =	sst s8  }
0x11: {  	[smem:$0x3FB3] =	sst s9;
	s0 =	simm.s32 @!p0 $0x0  }
0x12: {  	s1 =	sld [smem:$0x3F99];
	s0 =	simm.s32 @p0 $0x1  }
0x13: {  	[smem:$0x3FB4] =	sst s0;
	s0 =	simm.s32 @!p1 $0x0  }
0x14: {  	s2 =	sld [smem:$0x3F98];
	s0 =	simm.s32 @p1 $0x1  }
0x15: {  	[smem:$0x3FB5] =	sst s0;
	s0 =	simm.s32 @!p2 $0x0  }
0x16: {  	s3 =	sld [smem:$0x3FDB];
	s0 =	simm.s32 @p2 $0x1  }
0x17: {  	s4 =	simm.s32 $0x1BF5;
	[smem:$0x3FB7] =	sst s0  }
0x18: {  	s0 =	sld [smem:$0x3F9A];
	_ =	swait.ge [sflag:s4], $0x0  }
0x19: {  	s7 =	sld [smem:$0x3F9B]  }
0x1a: {  	s8 =	sadd.s32 $0xFFFFE003, lr  }
0x1b: {  	s9 =	sadd.s32 $0xFFFFFEF7, lr;
	s5 =	simm.s32 $0xFFFFFFFF;
	p2 =	slt.u32 s8, $0xFFFFF086  }
0x1c: {  	p1 =	slt.u32 s9, $0xF7A;
	s5 =	simm.s32 @!p2 $0x0  }
0x1d: {  	s5 =	simm.s32 @p1 $0x1;
	p0 =	seq.s32 s7, s2  }
0x1e: {  	s7 =	smul.u32 @!p0 $0xF7A, s2;
	p2 =	seq.s32 @!p0 s5, $0x0  }
0x1f: {  	s9 =	smul.u32 $0xF7A, s1;
	s8 =	simm.s32 @!p0 $0x1BF5;
	p2 =	por !p2, p0  }
0x20: {  	[sflag:s8] =	ssyncset.s32 @!p0 $0xFFFFF086;
	s6 =	sadd.s32 @!p0 s3, s7;
	s7 =	simm.s32 @!p0 $0x108  }
0x21: {  	s3 =	sadd.s32 s3, s9;
	s6 =	sadd.s32 @!p0 $0x88, s6;
	s7 =	simm.s32 @p2 $0x1082  }
0x22: {  	[simem:s7], [sflag:s8] =	dma.local @!p0 [hbm:s6], $0xF7A  }
0x23: {  	s9 =	sor.u32 $0xD0000000, s2;
	s6 =	simm.s32 $0x108;
	_ =	swait.ge @!p0 [sflag:s8], $0x0  }
0x24: {  	s3 =	sadd.s32 $0x88, s3;
	s6 =	simm.s32 @!p1 $0x1082;
	[sflag:s4] =	ssyncset.s32 $0xFFFFF086  }
0x25: {  	[simem:s6], [sflag:s4] =	dma.local [hbm:s3], $0xF7A  }
0x26: {  	[smem:$0x3F9B] =	sst s1;
	(tag) =	ssettag s2;
	_ =	strace s9  }
0x27: {  	s1 =	sld [smem:$0x3FAB]  }
0x28: {  	s2 =	sld [smem:$0x3FAC]  }
0x29: {  	s4 =	sld [smem:$0x3FAE]  }
0x2a: {  	p0 =	seq.s32 s5, $0x0;
	s5 =	sld [smem:$0x3FAF]  }
0x2b: {  	s6 =	sld [smem:$0x3FB0]  }
0x2c: {  	s7 =	sld [smem:$0x3FB1]  }
0x2d: {  	s3 =	simm.s32 $0x108;
	s8 =	sld [smem:$0x3FB2]  }
0x2e: {  	s3 =	simm.s32 @!p0 $0x1082;
	s9 =	sld [smem:$0x3FB3]  }
0x2f: {  	lr =	sadd.s32 s0, s3;
	s0 =	sld [smem:$0x3FAA]  }
0x30: {  	s3 =	sld [smem:$0x3FAD]  }
0x31: {  	[smem:$0x3FB6] =	sst s10  }
0x32: {  	s10 =	sld [smem:$0x3FB4];
	_ =	sdelay $0x3  }
0x33: {  	p0 =	seq.s32 s10, $0x1;
	s10 =	sld [smem:$0x3FB6];
	_ =	sdelay $0x3  }
0x34: {  	[smem:$0x3FB6] =	sst s10  }
0x35: {  	s10 =	sld [smem:$0x3FB5];
	_ =	sdelay $0x3  }
0x36: {  	p1 =	seq.s32 s10, $0x1;
	s10 =	sld [smem:$0x3FB6];
	_ =	sdelay $0x3  }
0x37: {  	[smem:$0x3FB6] =	sst s10  }
0x38: {  	s10 =	sld [smem:$0x3FB7]  }
0x39: {  	_ = 	snop;
	(pc) =	sbr.ind lr, $3  }
0x3a: {  	_ = 	snop  }
0x3b: {  	_ = 	snop  }
0x3c: {  	p2 =	seq.s32 s10, $0x1;
	s10 =	sld [smem:$0x3FB6]  }
0x3d: {  	_ =	shalt  }
0x3e: {  	_ =	shalt  }
0x3f: {  	_ =	shalt  }
0x40: {  	_ =	shalt  }
0x41: {  	_ =	shalt  }
0x42: {  	_ =	shalt  }
0x43: {  	_ =	shalt  }
0x44: {  	_ =	shalt  }
0x45: {  	_ =	shalt  }
0x46: {  	_ =	shalt  }
0x47: {  	_ =	shalt  }
0x48: {  	_ =	shalt  }
0x49: {  	_ =	shalt  }
0x4a: {  	_ =	shalt  }
0x4b: {  	_ =	shalt  }
0x4c: {  	_ =	shalt  }
0x4d: {  	_ =	shalt  }
0x4e: {  	_ =	shalt  }
0x4f: {  	_ =	shalt  }
0x50: {  	_ =	shalt  }
0x51: {  	_ =	shalt  }
0x52: {  	_ =	shalt  }
0x53: {  	_ =	shalt  }
0x54: {  	_ =	shalt  }
0x55: {  	_ =	shalt  }
0x56: {  	_ =	shalt  }
0x57: {  	_ =	shalt  }
0x58: {  	_ =	shalt  }
0x59: {  	_ =	shalt  }
0x5a: {  	_ =	shalt  }
0x5b: {  	_ =	shalt  }
0x5c: {  	_ =	shalt  }
0x5d: {  	_ =	shalt  }
0x5e: {  	_ =	shalt  }
0x5f: {  	_ =	shalt  }
0x60: {  	_ =	shalt  }
0x61: {  	_ =	shalt  }
0x62: {  	_ =	shalt  }
0x63: {  	_ =	shalt  }
0x64: {  	_ =	shalt  }
0x65: {  	_ =	shalt  }
0x66: {  	_ =	shalt  }
0x67: {  	_ =	shalt  }
0x68: {  	_ =	shalt  }
0x69: {  	_ =	shalt  }
0x6a: {  	_ =	shalt  }
0x6b: {  	_ =	shalt  }
0x6c: {  	_ =	shalt  }
0x6d: {  	_ =	shalt  }
0x6e: {  	_ =	shalt  }
0x6f: {  	_ =	shalt  }
0x70: {  	_ =	shalt  }
0x71: {  	_ =	shalt  }
0x72: {  	_ =	shalt  }
0x73: {  	_ =	shalt  }
0x74: {  	_ =	shalt  }
0x75: {  	_ =	shalt  }
0x76: {  	_ =	shalt  }
0x77: {  	_ =	shalt  }
0x78: {  	_ =	shalt  }
0x79: {  	_ =	shalt  }
0x7a: {  	_ =	shalt  }
0x7b: {  	_ =	shalt  }
0x7c: {  	_ =	shalt  }
0x7d: {  	_ =	shalt  }
0x7e: {  	_ =	shalt  }
0x7f: {  	_ =	shalt  }
0x80: {  	_ =	shalt  }
0x81: {  	_ =	shalt  }
0x82: {  	_ =	shalt  }
0x83: {  	_ =	shalt  }
0x84: {  	_ =	shalt  }
0x85: {  	_ =	shalt  }
0x86: {  	_ =	shalt  }
0x87: {  	_ =	shalt  }
.Lfunc_end0:
.L_simem_size_0:
called_computation.2_lowered:
.L_overlay_start_0:
0x88: {  	s2 =	sld [smem:$0x3FD9]  }
0x89: {  	s3 =	sld [smem:$0x3FFE];
	_ =	sdelay $0x1  }
0x8a: {  	s1 =	srdreg.scid  }
0x8b: {  	s0 =	sand.u32 $0x1, s1  }
0x8c: {  	s17 =	sshll.u32 s0, $0xA;
	s2 =	sadd.s32 s3, s2  }
0x8d: {  	s2 =	sadd.s32 s2, s17  }
0x8e: {  	[smem:$0x3FC2] =	sst s2  }
0x8f: {  	_ = 	snop  }
0x90: {  	s2 =	sld [smem:$0x3FD0];
	(tm) =	ssettm $0x1  }
0x91: {  	s18 =	sld [smem:$0x3FFB];
	_ =	sdelay $0x3  }
0x92: {  	_ =	strace s18  }
0x93: {  	s3 =	sld [smem:$0x3FFC];
	_ =	sdelay $0x3  }
0x94: {  	_ =	strace s3  }
0x95: {  	s3 =	sld [smem:$0x3FFD];
	_ =	sdelay $0x3  }
0x96: {  	_ =	strace s3  }
0x97: {  	_ =	strace $0x8FFFFFFF  }
0x98: {  	s19 =	sld [smem:$0x3FDB];
	_ =	sdelay $0x1  }
0x99: {  	s4 =	simm.s32 $_scs_section_size  }
0x9a: {  	s5 =	simm.s32 $_size__tile_overlayer_lowered;
	s6 =	simm.s32 $_tile_overlayer_lowered  }
0x9b: {  	s22 =	simm.s32 $0x1BFF;
	s21 =	sshll.u32 s6, $0x1;
	s3 =	sadd.s32 s4, s19  }
0x9c: {  	s7 =	simm.s32 $0x0;
	s20 =	sshll.u32 s5, $0x1;
	s5 =	sadd.s32 s21, s3  }
0x9d: {  	[timem:s7], [sflag:s22] =	dma.local [hbm:s5], s20  }
0x9e: {  	_ =	swait.ge [sflag:s22], s20  }
0x9f: {  	s4 =	ssub.s32 $0x0, s20;
	[sflag:s22] =	ssyncset.done $0x0  }
0xa0: {  	[sflag:s22] =	ssyncadd.s32 s4;
	_ =	sdelay $0x1  }
0xa1: {  	s23 =	simm.s32 $0x1B8B  }
0xa2: {  	_ =	swait.ge [sflag:s23], $0x1  }
0xa3: {  	[sflag:s23] =	ssyncset.done $0x0  }
0xa4: {  	s25 =	simm.s32 $0x1B8E;
	s24 =	sld [smem:$0x3FFE];
	[sflag:s23] =	ssyncadd.s32 $0xFFFFFFFF  }
0xa5: {  	s26 =	simm.s32 $execute0_lowered;
	[smem:$0x3FD2] =	sst s25  }
0xa6: {  	s5 =	sshll.u32 s26, $0x1;
	_ =	strace $0x8000004C;
	[dreg:$0x1] =	wrdreg $0xFFFFFFFF  }
0xa7: {  	s28 =	simm.s32 $_size_execute0_lowered;
	s3 =	sadd.s32 s3, s5;
	[dreg:$0x0] =	wrdreg $0x0  }
0xa8: {  	s5 =	sshll.u32 s28, $0x1;
	[dreg:$0x2] =	wrdreg s3  }
0xa9: {  	[dreg:$0x3] =	wrdreg s5  }
0xaa: {  	[dreg:$0x4] =	wrdreg $0xC0  }
0xab: {  	_ =	task [dreg:s7], $0x5FFFF  }
0xac: {  	[dreg:$0x1] =	wrdreg $0xFFFFFFFF  }
0xad: {  	[dreg:$0x0] =	wrdreg $0x60  }
0xae: {  	[dreg:$0x2] =	wrdreg s24  }
0xaf: {  	[dreg:$0x3] =	wrdreg s2  }
0xb0: {  	[dreg:$0x4] =	wrdreg $0xA8000  }
0xb1: {  	[dreg:$0x5] =	wrdreg $0x9  }
0xb2: {  	_ =	task.clear_ibuf [dreg:s7], $0x6FFFF;
	_ =	strace $0x9000004C  }
0xb3: {  	s29 =	simm.s32 $0x9;
	_ =	strace $0x8000004E  }
0xb4: {  	_ =	swait.ge [sflag:s29], $0x1  }
0xb5: {  	[sflag:s29] =	ssyncadd.s32 $0xFFFFFFFF  }
0xb6: {  	_ =	strace $0x9000004E  }
0xb7: {  	_ =	sfence  }
0xb8: {  	s30 =	sld [smem:$0x0];
	_ =	sdelay $0x2  }
0xb9: {  	s31 =	sshll.u32 s1, $0xD;
	s1 =	sshrl.u32 s1, $0x2  }
0xba: {  	s3 =	sand.u32 $0x4000, s31;
	s1 =	sadd.s32 s1, s30  }
0xbb: {  	s0 =	sor.u32 s3, s0;
	s1 =	sshll.u32 s1, $0x11  }
0xbc: {  	s0 =	sor.u32 s1, s0  }
0xbd: {  	s0 =	sadd.s32 $0x8F2B, s0  }
0xbe: {  	[sflag:s0] =	ssyncadd.remote.s32 $0x1  }
0xbf: {  	_ =	sfence.sel $0xFFFF  }
0xc0: {  	[dreg:$0x0] =	wrdreg $0xFFFFFFFF;
	(pc) =	sbr.abs _section_cstart, $3  }
0xc1: {  	[dreg:$0x1] =	wrdreg $0xFFFFFFFF  }
0xc2: {  	_ =	task.clear_ibuf [dreg:s7], $0x2FFFF;
	_ =	strace $0x9FFFFFFF  }
0xc3: {  	(tm) =	ssettm $0x7FFFFFFF  }
tec
execute0_lowered:
.L_overlay_start_1:
0x0: {  	(tag) =	ssettag $0x1  }
0x1: {  	s5 =	rddreg [dreg:$0x0]  }
0x2: {  	s14 =	rddreg [dreg:$0x1]  }
0x3: {  	s2 =	rddreg [dreg:$0x2]  }
0x4: {  	s4 =	srdreg.scid;
	s0 =	stileid.u32;
	s3 =	simm.s32 $0x0  }
0x5: {  	s20 =	simm.s32 $0x2700;
	s21 =	simm.s32 $0x80;
	s22 =	simm.s32 $0x2780  }
0x6: {  	s23 =	simm.s32 $0x6800;
	s24 =	simm.s32 $0x1;
	s25 =	simm.s32 $0x3  }
0x7: {  	s28 =	simm.s32 $0x0;
	s10 =	sand.u32 $0x1, s4;
	s6 =	smul.u32 $0x2800, s0  }
0x8: {  	[smem:$0x7FF] =	sst s3;
	s4 =	sadd.s32 $0xC200, s5;
	s8 =	smul.u32 $0x50000, s0  }
0x9: {  	s26 =	sshll.u32 s0, $0x1;
	s17 =	sadd.s32 $0x2400, s5;
	s13 =	smul.u32 $0x9C, s0  }
0xa: {  	p0 =	sgt.u32 s0, $0x1;
	s7 =	smul.u32 $0x28000, s10;
	_ =	strace $0x8000004D  }
0xb: {  	s29 =	sor.u32 s10, s26;
	s30 =	ssub.s32 $0x2, s10;
	s19 =	smul.u32 $0x4E, s10  }
0xc: {  	s26 =	simm.s32 $0x2;
	s8 =	sshrl.u32 s8, $0x2;
	s9 =	sshrl.u32 s30, $0x1  }
0xd: {  	s12 =	smin.u32 s29, $0x4;
	s6 =	sadd.s32 s6, s7;
	s7 =	smul.u32 $0x4E, s29  }
0xe: {  	s16 =	ssub.s32 s30, s9;
	s13 =	sadd.s32 s13, s12;
	s15 =	sadd.s32 s6, s5  }
0xf: {  	s5 =	sadd.s32 s8, s2;
	s19 =	sadd.s32 s19, s13;
	s16 =	smax.u32 s16, $0x1  }
0x10: {  	s11 =	sadd.s32 s12, s7;
	s6 =	sadd.s32 $0x4000, s5;
	s7 =	sadd.s32 $0x8000, s5  }
0x11: {  	s8 =	sadd.s32 $0xC000, s5;
	s9 =	sadd.s32 $0x10000, s5;
	s31 =	sshll.u32 s19, $0x4  }
0x12: {  	s15 =	sadd.s32 $0x34200, s15;
	s19 =	simm.s32 $0x4;
	s18 =	sshll.u32 s11, $0x4  }
0x13: {  	s10 =	sadd.s32 s14, s18;
	s11 =	sadd.s32 s17, s18;
	s18 =	sadd.s32 $0x4E0, s18  }
0x14: {  	s12 =	sadd.s32 $0x10, s11;
	s13 =	sadd.s32 s17, s18;
	s17 =	sadd.s32 s31, s17  }
0x15: {  	v0 =	vimm.f32 $0.0e+00;
	s14 =	sadd.s32 s14, s18;
	s18 =	simm.s32 $0x2800;
	s17 =	sadd.s32 $0x20, s17  }
.LBB2_1:
0x16: {  	s29 =	simm.s32 $0x0;
	s30 =	simm.s32 $0x200  }
.LBB2_2:
0x17: {  	p1 =	sne.s32 s30, $0xFE00;
	[tilespmem:s29+$0x2870] =	vst v0  }
0x18: {  	[tilespmem:s29+$0x2800] =	vst v0  }
0x19: {  	[tilespmem:s29+$0x2810] =	vst v0  }
.Ltmp0:
0x1a: {  	[tilespmem:s29+$0x2820] =	vst v0;
	(pc) =	sbr.rel @p1 .LBB2_2-.Ltmp0, $4  }
0x1b: {  	[tilespmem:s29+$0x2830] =	vst v0  }
0x1c: {  	[tilespmem:s29+$0x2840] =	vst v0  }
0x1d: {  	[tilespmem:s29+$0x2850] =	vst v0  }
0x1e: {  	[tilespmem:s29+$0x2860] =	vst v0;
	s29 =	sshra.s32 s30, $0x2;
	s30 =	sadd.s32 $0x200, s30  }
0x1f: {  	[tilespmem:s29+$0x2870] =	vst v0  }
0x20: {  	[tilespmem:s29+$0x2800] =	vst v0  }
0x21: {  	[tilespmem:s29+$0x2810] =	vst v0  }
0x22: {  	[tilespmem:s29+$0x2820] =	vst v0  }
0x23: {  	[tilespmem:s29+$0x2830] =	vst v0  }
0x24: {  	[tilespmem:s29+$0x2840] =	vst v0  }
0x25: {  	[tilespmem:s29+$0x2850] =	vst v0  }
0x26: {  	[tilespmem:s29+$0x2860] =	vst v0  }
0x27: {  	[spmem:s5] =	stream.linear.scatter [tilespmem:s18], [sflag:$0x4], $0x4000, $0x38;
	[tilespmem:$0x1E800] =	vst v63  }
0x28: {  	_ =	swait.ge [sflag:s19], $0x4000  }
0x29: {  	[sflag:s19] =	ssyncset.done $0x0  }
0x2a: {  	[sflag:s19] =	ssyncadd.s32 $0xFFFFC000  }
0x2b: {  	[spmem:s6] =	stream.linear.scatter [tilespmem:s18], [sflag:$0x4], $0x4000, $0x38;
	[tilespmem:$0x1E800] =	vst v63  }
0x2c: {  	_ =	swait.ge [sflag:s19], $0x4000  }
0x2d: {  	[sflag:s19] =	ssyncset.done $0x0  }
0x2e: {  	[sflag:s19] =	ssyncadd.s32 $0xFFFFC000  }
0x2f: {  	[spmem:s7] =	stream.linear.scatter [tilespmem:s18], [sflag:$0x4], $0x4000, $0x38;
	[tilespmem:$0x1E800] =	vst v63  }
0x30: {  	_ =	swait.ge [sflag:s19], $0x4000  }
0x31: {  	[sflag:s19] =	ssyncset.done $0x0  }
0x32: {  	[sflag:s19] =	ssyncadd.s32 $0xFFFFC000  }
0x33: {  	[spmem:s8] =	stream.linear.scatter [tilespmem:s18], [sflag:$0x4], $0x4000, $0x38;
	[tilespmem:$0x1E800] =	vst v63  }
0x34: {  	_ =	swait.ge [sflag:s19], $0x4000  }
0x35: {  	[sflag:s19] =	ssyncset.done $0x0  }
0x36: {  	[sflag:s19] =	ssyncadd.s32 $0xFFFFC000  }
0x37: {  	[spmem:s9] =	stream.linear.scatter [tilespmem:s18], [sflag:$0x4], $0x4000, $0x38;
	[tilespmem:$0x1E800] =	vst v63  }
0x38: {  	_ =	swait.ge [sflag:s19], $0x4000  }
0x39: {  	[sflag:s19] =	ssyncset.done $0x0  }
0x3a: {  	[sflag:s19] =	ssyncadd.s32 $0xFFFFC000  }
0x3b: {  	[tilespmem:s3], [sflag:$0x4] =	stream.linear.gather [hbm4b:s10+s3], $0x2700, $0x38;
	[tilespmem:$0x1E800] =	vst v63  }
0x3c: {  	_ =	swait.ge [sflag:s19], $0x2700  }
0x3d: {  	[sflag:s19] =	ssyncset.done $0x0  }
0x3e: {  	[sflag:s19] =	ssyncadd.s32 $0xFFFFD900  }
0x3f: {  	[bflag:$0x0] =	sbarrier.arrive $0xFFFF  }
0x40: {  	[tilespmem:s20], [sflag:$0x1] =	stream.linear.gather [hbm4b:s11+s3], $0x80, $0x38;
	[tilespmem:$0x1E800] =	vst v63  }
0x41: {  	_ = 	snop  }
0x42: {  	[tilespmem:s18], [sflag:$0x3] =	stream.indirect.gather [hbm4b:s4+s21], $0x80, s3, s21, $0xb8;
	[tilespmem:$0x1E800] =	vst v63  }
0x43: {  	_ = 	snop  }
0x44: {  	[tilespmem:s22], [sflag:$0x2] =	stream.linear.gather [hbm4b:s12+s3], $0x80, $0x38;
	[tilespmem:$0x1E800] =	vst v63  }
0x45: {  	_ = 	snop  }
0x46: {  	[tilespmem:s23], [sflag:$0x3] =	stream.indirect.gather [hbm4b:s4+s21], $0x80, s21, s21, $0xb8;
	[tilespmem:$0x1E800] =	vst v63  }
0x47: {  	_ =	swait.ge [sflag:s24], $0x80  }
0x48: {  	[sflag:s24] =	ssyncset.done $0x0  }
0x49: {  	[sflag:s24] =	ssyncadd.s32 $0xFFFFFF80  }
0x4a: {  	_ =	swait.ge [sflag:s25], $0x4000  }
0x4b: {  	[sflag:s25] =	ssyncset.done $0x0  }
0x4c: {  	[sflag:s25] =	ssyncadd.s32 $0xFFFFC000  }
0x4d: {  	[spmem:s2] =	stream.indirect.scatter.add.f32 [tilespmem:s18], [sflag:$0x4], $0x80, s20, s21, $0xb8;
	[tilespmem:$0x1E800] =	vst v63  }
0x4e: {  	_ =	swait.ge [sflag:s19], $0x4000  }
0x4f: {  	[sflag:s19] =	ssyncset.done $0x0  }
0x50: {  	[sflag:s19] =	ssyncadd.s32 $0xFFFFC000  }
0x51: {  	[tilespmem:s20], [sflag:$0x1] =	stream.linear.gather [hbm4b:s17+s3], $0x80, $0x38;
	[tilespmem:$0x1E800] =	vst v63  }
0x52: {  	s29 =	simm.s32 $0x100  }
0x53: {  	[tilespmem:s18], [sflag:$0x3] =	stream.indirect.gather [hbm4b:s4+s21], $0x80, s29, s21, $0xb8;
	[tilespmem:$0x1E800] =	vst v63  }
0x54: {  	_ =	swait.ge [sflag:s26], $0x80  }
0x55: {  	[sflag:s26] =	ssyncset.done $0x0  }
0x56: {  	[sflag:s26] =	ssyncadd.s32 $0xFFFFFF80  }
0x57: {  	_ =	swait.ge [sflag:s25], $0x4000  }
0x58: {  	[sflag:s25] =	ssyncset.done $0x0  }
0x59: {  	[sflag:s25] =	ssyncadd.s32 $0xFFFFC000  }
0x5a: {  	[spmem:s2] =	stream.indirect.scatter.add.f32 [tilespmem:s23], [sflag:$0x4], $0x80, s22, s21, $0xb8;
	[tilespmem:$0x1E800] =	vst v63  }
0x5b: {  	_ =	swait.ge [sflag:s19], $0x4000  }
0x5c: {  	[sflag:s19] =	ssyncset.done $0x0  }
0x5d: {  	s29 =	sadd.s32 $0x10, s17;
	[sflag:s19] =	ssyncadd.s32 $0xFFFFC000  }
0x5e: {  	[tilespmem:s22], [sflag:$0x2] =	stream.linear.gather [hbm4b:s29+s3], $0x80, $0x38;
	[tilespmem:$0x1E800] =	vst v63  }
0x5f: {  	s31 =	simm.s32 $0x180;
	s30 =	sadd.s32 $0x20, s17;
	s29 =	simm.s32 $0xFFFF6C00  }
.LBB2_4:
0x60: {  	[tilespmem:s23], [sflag:$0x3] =	stream.indirect.gather [hbm4b:s4+s21], $0x80, s31, s21, $0xb8;
	[tilespmem:$0x1E800] =	vst v63  }
0x61: {  	s31 =	smov.u32 s29  }
0x62: {  	p1 =	sne.s32 s29, $0xFFFFFC00;
	s29 =	sadd.s32 $0x400, s29;
	_ =	swait.ge [sflag:s24], $0x80  }
0x63: {  	[sflag:s24] =	ssyncset.done $0x0  }
0x64: {  	[sflag:s24] =	ssyncadd.s32 $0xFFFFFF80  }
0x65: {  	_ =	swait.ge [sflag:s25], $0x4000  }
0x66: {  	[sflag:s25] =	ssyncset.done $0x0  }
0x67: {  	[sflag:s25] =	ssyncadd.s32 $0xFFFFC000  }
0x68: {  	[spmem:s2] =	stream.indirect.scatter.add.f32 [tilespmem:s18], [sflag:$0x4], $0x80, s20, s21, $0xb8;
	[tilespmem:$0x1E800] =	vst v63  }
0x69: {  	_ =	swait.ge [sflag:s19], $0x4000  }
0x6a: {  	[sflag:s19] =	ssyncset.done $0x0  }
0x6b: {  	s31 =	sshra.s32 s31, $0x2;
	[sflag:s19] =	ssyncadd.s32 $0xFFFFC000  }
0x6c: {  	[tilespmem:s20], [sflag:$0x1] =	stream.linear.gather [hbm4b:s30+s3], $0x80, $0x38;
	[tilespmem:$0x1E800] =	vst v63  }
0x6d: {  	s0 =	sadd.s32 $0x2700, s31  }
0x6e: {  	[tilespmem:s18], [sflag:$0x3] =	stream.indirect.gather [hbm4b:s4+s21], $0x80, s0, s21, $0xb8;
	[tilespmem:$0x1E800] =	vst v63  }
0x6f: {  	_ =	swait.ge [sflag:s26], $0x80  }
0x70: {  	[sflag:s26] =	ssyncset.done $0x0  }
0x71: {  	[sflag:s26] =	ssyncadd.s32 $0xFFFFFF80  }
0x72: {  	_ =	swait.ge [sflag:s25], $0x4000  }
0x73: {  	[sflag:s25] =	ssyncset.done $0x0  }
0x74: {  	[sflag:s25] =	ssyncadd.s32 $0xFFFFC000  }
0x75: {  	[spmem:s2] =	stream.indirect.scatter.add.f32 [tilespmem:s23], [sflag:$0x4], $0x80, s22, s21, $0xb8;
	[tilespmem:$0x1E800] =	vst v63  }
.Ltmp1:
0x76: {  	_ =	swait.ge [sflag:s19], $0x4000;
	(pc) =	sbr.rel @p1 .LBB2_4-.Ltmp1, $4  }
0x77: {  	[sflag:s19] =	ssyncset.done $0x0  }
0x78: {  	s0 =	sadd.s32 $0x10, s30;
	[sflag:s19] =	ssyncadd.s32 $0xFFFFC000  }
0x79: {  	[tilespmem:s22], [sflag:$0x2] =	stream.linear.gather [hbm4b:s0+s3], $0x80, $0x38;
	[tilespmem:$0x1E800] =	vst v63  }
0x7a: {  	s31 =	sadd.s32 $0x2780, s31;
	s30 =	sadd.s32 $0x20, s30  }
0x7b: {  	[tilespmem:s23], [sflag:$0x3] =	stream.indirect.gather [hbm4b:s4+s21], $0x80, s31, s21, $0xb8;
	[tilespmem:$0x1E800] =	vst v63  }
0x7c: {  	_ =	swait.ge [sflag:s24], $0x80  }
0x7d: {  	[sflag:s24] =	ssyncset.done $0x0  }
0x7e: {  	[sflag:s24] =	ssyncadd.s32 $0xFFFFFF80  }
0x7f: {  	_ =	swait.ge [sflag:s25], $0x4000  }
0x80: {  	[sflag:s25] =	ssyncset.done $0x0  }
0x81: {  	[sflag:s25] =	ssyncadd.s32 $0xFFFFC000  }
0x82: {  	[spmem:s2] =	stream.indirect.scatter.add.f32 [tilespmem:s18], [sflag:$0x4], $0x80, s20, s21, $0xb8;
	[tilespmem:$0x1E800] =	vst v63  }
0x83: {  	_ =	swait.ge [sflag:s19], $0x4000  }
0x84: {  	[sflag:s19] =	ssyncset.done $0x0  }
0x85: {  	[sflag:s19] =	ssyncadd.s32 $0xFFFFC000  }
0x86: {  	_ =	swait.ge [sflag:s26], $0x80  }
0x87: {  	[sflag:s26] =	ssyncset.done $0x0  }
0x88: {  	[sflag:s26] =	ssyncadd.s32 $0xFFFFFF80  }
0x89: {  	_ =	swait.ge [sflag:s25], $0x4000  }
0x8a: {  	[sflag:s25] =	ssyncset.done $0x0  }
0x8b: {  	[sflag:s25] =	ssyncadd.s32 $0xFFFFC000  }
0x8c: {  	[spmem:s2] =	stream.indirect.scatter.add.f32 [tilespmem:s23], [sflag:$0x4], $0x80, s22, s21, $0xb8;
	[tilespmem:$0x1E800] =	vst v63  }
0x8d: {  	_ =	swait.ge [sflag:s19], $0x4000  }
0x8e: {  	s0 =	simm.s32 @!p0 $0x0;
	[sflag:s19] =	ssyncset.done $0x0  }
0x8f: {  	s29 =	simm.s32 @!p0 $0x2700;
	s30 =	simm.s32 @!p0 $0x4;
	[sflag:s19] =	ssyncadd.s32 $0xFFFFC000  }
0x90: {  	[tilespmem:s29], [sflag:$0x4] =	stream.linear.gather @!p0 [hbm4b:s13+s0], $0x80, $0x38;
	[tilespmem:$0x1E800] =	vst v63  }
0x91: {  	_ =	swait.ge @!p0 [sflag:s30], $0x80  }
0x92: {  	[sflag:s30] =	ssyncset.done @!p0 $0x0  }
0x93: {  	s31 =	simm.s32 @!p0 $0x2780;
	[sflag:s30] =	ssyncadd.s32 @!p0 $0xFFFFFF80  }
0x94: {  	[tilespmem:s31], [sflag:$0x4] =	stream.linear.gather @!p0 [hbm4b:s14+s0], $0x80, $0x38;
	[tilespmem:$0x1E800] =	vst v63  }
0x95: {  	_ =	swait.ge @!p0 [sflag:s30], $0x80  }
0x96: {  	[sflag:s30] =	ssyncset.done @!p0 $0x0  }
0x97: {  	s1 =	simm.s32 @!p0 $0x2800;
	s0 =	simm.s32 @!p0 $0x80;
	[sflag:s30] =	ssyncadd.s32 @!p0 $0xFFFFFF80  }
0x98: {  	[tilespmem:s1], [sflag:$0x3] =	stream.indirect.gather @!p0 [hbm4b:s4+s0], $0x80, s31, s0, $0xb8;
	[tilespmem:$0x1E800] =	vst v63  }
0x99: {  	s31 =	simm.s32 @!p0 $0x3  }
0x9a: {  	_ =	swait.ge @!p0 [sflag:s31], $0x4000  }
0x9b: {  	[sflag:s31] =	ssyncset.done @!p0 $0x0  }
0x9c: {  	[sflag:s31] =	ssyncadd.s32 @!p0 $0xFFFFC000  }
0x9d: {  	[spmem:s2] =	stream.indirect.scatter.add.f32 @!p0 [tilespmem:s1], [sflag:$0x4], $0x80, s29, s0, $0xb8;
	[tilespmem:$0x1E800] =	vst v63  }
0x9e: {  	_ =	swait.ge @!p0 [sflag:s30], $0x4000  }
0x9f: {  	[sflag:s30] =	ssyncset.done @!p0 $0x0  }
0xa0: {  	s28 =	sadd.s32 $0x1, s28;
	[sflag:s30] =	ssyncadd.s32 @!p0 $0xFFFFC000;
	s30 =	stileid.u32  }
0xa1: {  	p1 =	sne.s32 s28, s16;
	s31 =	sshrl.u32 s5, $0x3;
	s0 =	sshll.u32 s30, $0x6  }
.Ltmp2:
0xa2: {  	[bflag:$0x0] =	sbarrier.arrive $0xFFFF;
	s0 =	sor.u32 $0x1C04, s0;
	(pc) =	sbr.rel @p1 .LBB2_1-.Ltmp2, $4  }
0xa3: {  	[hbm:s15], [sflag:s0] =	dma.local [spmem:s31], $0x2800  }
0xa4: {  	_ =	swait.ge [sflag:s19], $0x2800  }
0xa5: {  	[sflag:s19] =	ssyncset.done $0x0  }
0xa6: {  	[sflag:s19] =	ssyncadd.s32 $0xFFFFD800  }
0xa7: {  	_ =	sfence.sel $0x180000  }
0xa8: {  	[bflag:$0x0] =	sbarrier.arrive $0xFFFF  }
0xa9: {  	_ =	strace $0x9000004D  }
0xaa: {  	s0 =	stileid.u32;
	[bflag:$0x2] =	sbarrier.arrive $0xFFFF  }
0xab: {  	p0 =	sne.s32 s0, $0x0;
	s0 =	rddreg [dreg:$0x3]  }
0xac: {  	s0 =	sadd.s32 @!p0 $0x100000, s0  }
0xad: {  	[sflag:s0] =	ssyncadd.tile.s32 @!p0 $0x1;
	_ =	shalt  }
.Lfunc_end2:
_tile_overlayer_lowered:
.L_overlay_start_2:
0xae: {  	(tag) =	ssettag $0x2  }
0xaf: {  	s0 =	rddreg [dreg:$0x0];
	s2 =	stileid.u32  }
0xb0: {  	s1 =	rddreg [dreg:$0x1];
	p0 =	sne.s32 s2, $0x0  }
0xb1: {  	s3 =	rddreg [dreg:$0x2];
	[bflag:$0x3] =	sbarrier.arrive $0xFFFF;
	s2 =	simm.s32 @!p0 $0x1C04  }
0xb2: {  	[timem:s3], [sflag:s2] =	dma.local @!p0 [hbm:s0], s1  }
0xb3: {  	s0 =	simm.s32 @!p0 $0x4  }
0xb4: {  	_ =	swait.ge @!p0 [sflag:s0], s1  }
0xb5: {  	s1 =	ssub.s32 @!p0 $0x0, s1;
	[sflag:s0] =	ssyncset.done @!p0 $0x0  }
0xb6: {  	[sflag:s0] =	ssyncadd.s32 @!p0 s1  }
0xb7: {  	[bflag:$0x3] =	sbarrier.arrive $0xFFFF  }
0xb8: {  	_ =	shalt  }

// kernel: kernel.8.cloned.1.call-start
scs
__scs_entry_jumppad:
0x0: {  	(pc) =	sbr.rel $0x88, $3  }
0x1: {  	(tag) =	ssettag $0x0;
	lr =	simm.s32 $0x1  }
0x2: {  	[smem:$0x3F9B] =	sst lr;
	_ =	strace $0xD0000000  }
0x3: {  	_ = 	snop  }
0x4: {  	_ = 	snop  }
0x5: {  	_ = 	snop  }
0x6: {  	_ = 	snop  }
0x7: {  	_ = 	snop  }
__scs_overlays_trampoline_lowered:
0x8: {  	[smem:$0x3FAA] =	sst s0  }
0x9: {  	[smem:$0x3FAB] =	sst s1  }
0xa: {  	[smem:$0x3FAC] =	sst s2  }
0xb: {  	[smem:$0x3FAD] =	sst s3  }
0xc: {  	[smem:$0x3FAE] =	sst s4  }
0xd: {  	[smem:$0x3FAF] =	sst s5  }
0xe: {  	[smem:$0x3FB0] =	sst s6  }
0xf: {  	[smem:$0x3FB1] =	sst s7  }
0x10: {  	[smem:$0x3FB2] =	sst s8  }
0x11: {  	[smem:$0x3FB3] =	sst s9;
	s0 =	simm.s32 @!p0 $0x0  }
0x12: {  	s1 =	sld [smem:$0x3F99];
	s0 =	simm.s32 @p0 $0x1  }
0x13: {  	[smem:$0x3FB4] =	sst s0;
	s0 =	simm.s32 @!p1 $0x0  }
0x14: {  	s2 =	sld [smem:$0x3F98];
	s0 =	simm.s32 @p1 $0x1  }
0x15: {  	[smem:$0x3FB5] =	sst s0;
	s0 =	simm.s32 @!p2 $0x0  }
0x16: {  	s3 =	sld [smem:$0x3FDB];
	s0 =	simm.s32 @p2 $0x1  }
0x17: {  	s4 =	simm.s32 $0x1BF5;
	[smem:$0x3FB7] =	sst s0  }
0x18: {  	s0 =	sld [smem:$0x3F9A];
	_ =	swait.ge [sflag:s4], $0x0  }
0x19: {  	s7 =	sld [smem:$0x3F9B]  }
0x1a: {  	s8 =	sadd.s32 $0xFFFFE003, lr  }
0x1b: {  	s9 =	sadd.s32 $0xFFFFFEF7, lr;
	s5 =	simm.s32 $0xFFFFFFFF;
	p2 =	slt.u32 s8, $0xFFFFF086  }
0x1c: {  	p1 =	slt.u32 s9, $0xF7A;
	s5 =	simm.s32 @!p2 $0x0  }
0x1d: {  	s5 =	simm.s32 @p1 $0x1;
	p0 =	seq.s32 s7, s2  }
0x1e: {  	s7 =	smul.u32 @!p0 $0xF7A, s2;
	p2 =	seq.s32 @!p0 s5, $0x0  }
0x1f: {  	s9 =	smul.u32 $0xF7A, s1;
	s8 =	simm.s32 @!p0 $0x1BF5;
	p2 =	por !p2, p0  }
0x20: {  	[sflag:s8] =	ssyncset.s32 @!p0 $0xFFFFF086;
	s6 =	sadd.s32 @!p0 s3, s7;
	s7 =	simm.s32 @!p0 $0x108  }
0x21: {  	s3 =	sadd.s32 s3, s9;
	s6 =	sadd.s32 @!p0 $0x88, s6;
	s7 =	simm.s32 @p2 $0x1082  }
0x22: {  	[simem:s7], [sflag:s8] =	dma.local @!p0 [hbm:s6], $0xF7A  }
0x23: {  	s9 =	sor.u32 $0xD0000000, s2;
	s6 =	simm.s32 $0x108;
	_ =	swait.ge @!p0 [sflag:s8], $0x0  }
0x24: {  	s3 =	sadd.s32 $0x88, s3;
	s6 =	simm.s32 @!p1 $0x1082;
	[sflag:s4] =	ssyncset.s32 $0xFFFFF086  }
0x25: {  	[simem:s6], [sflag:s4] =	dma.local [hbm:s3], $0xF7A  }
0x26: {  	[smem:$0x3F9B] =	sst s1;
	(tag) =	ssettag s2;
	_ =	strace s9  }
0x27: {  	s1 =	sld [smem:$0x3FAB]  }
0x28: {  	s2 =	sld [smem:$0x3FAC]  }
0x29: {  	s4 =	sld [smem:$0x3FAE]  }
0x2a: {  	p0 =	seq.s32 s5, $0x0;
	s5 =	sld [smem:$0x3FAF]  }
0x2b: {  	s6 =	sld [smem:$0x3FB0]  }
0x2c: {  	s7 =	sld [smem:$0x3FB1]  }
0x2d: {  	s3 =	simm.s32 $0x108;
	s8 =	sld [smem:$0x3FB2]  }
0x2e: {  	s3 =	simm.s32 @!p0 $0x1082;
	s9 =	sld [smem:$0x3FB3]  }
0x2f: {  	lr =	sadd.s32 s0, s3;
	s0 =	sld [smem:$0x3FAA]  }
0x30: {  	s3 =	sld [smem:$0x3FAD]  }
0x31: {  	[smem:$0x3FB6] =	sst s10  }
0x32: {  	s10 =	sld [smem:$0x3FB4];
	_ =	sdelay $0x3  }
0x33: {  	p0 =	seq.s32 s10, $0x1;
	s10 =	sld [smem:$0x3FB6];
	_ =	sdelay $0x3  }
0x34: {  	[smem:$0x3FB6] =	sst s10  }
0x35: {  	s10 =	sld [smem:$0x3FB5];
	_ =	sdelay $0x3  }
0x36: {  	p1 =	seq.s32 s10, $0x1;
	s10 =	sld [smem:$0x3FB6];
	_ =	sdelay $0x3  }
0x37: {  	[smem:$0x3FB6] =	sst s10  }
0x38: {  	s10 =	sld [smem:$0x3FB7]  }
0x39: {  	_ = 	snop;
	(pc) =	sbr.ind lr, $3  }
0x3a: {  	_ = 	snop  }
0x3b: {  	_ = 	snop  }
0x3c: {  	p2 =	seq.s32 s10, $0x1;
	s10 =	sld [smem:$0x3FB6]  }
0x3d: {  	_ =	shalt  }
0x3e: {  	_ =	shalt  }
0x3f: {  	_ =	shalt  }
0x40: {  	_ =	shalt  }
0x41: {  	_ =	shalt  }
0x42: {  	_ =	shalt  }
0x43: {  	_ =	shalt  }
0x44: {  	_ =	shalt  }
0x45: {  	_ =	shalt  }
0x46: {  	_ =	shalt  }
0x47: {  	_ =	shalt  }
0x48: {  	_ =	shalt  }
0x49: {  	_ =	shalt  }
0x4a: {  	_ =	shalt  }
0x4b: {  	_ =	shalt  }
0x4c: {  	_ =	shalt  }
0x4d: {  	_ =	shalt  }
0x4e: {  	_ =	shalt  }
0x4f: {  	_ =	shalt  }
0x50: {  	_ =	shalt  }
0x51: {  	_ =	shalt  }
0x52: {  	_ =	shalt  }
0x53: {  	_ =	shalt  }
0x54: {  	_ =	shalt  }
0x55: {  	_ =	shalt  }
0x56: {  	_ =	shalt  }
0x57: {  	_ =	shalt  }
0x58: {  	_ =	shalt  }
0x59: {  	_ =	shalt  }
0x5a: {  	_ =	shalt  }
0x5b: {  	_ =	shalt  }
0x5c: {  	_ =	shalt  }
0x5d: {  	_ =	shalt  }
0x5e: {  	_ =	shalt  }
0x5f: {  	_ =	shalt  }
0x60: {  	_ =	shalt  }
0x61: {  	_ =	shalt  }
0x62: {  	_ =	shalt  }
0x63: {  	_ =	shalt  }
0x64: {  	_ =	shalt  }
0x65: {  	_ =	shalt  }
0x66: {  	_ =	shalt  }
0x67: {  	_ =	shalt  }
0x68: {  	_ =	shalt  }
0x69: {  	_ =	shalt  }
0x6a: {  	_ =	shalt  }
0x6b: {  	_ =	shalt  }
0x6c: {  	_ =	shalt  }
0x6d: {  	_ =	shalt  }
0x6e: {  	_ =	shalt  }
0x6f: {  	_ =	shalt  }
0x70: {  	_ =	shalt  }
0x71: {  	_ =	shalt  }
0x72: {  	_ =	shalt  }
0x73: {  	_ =	shalt  }
0x74: {  	_ =	shalt  }
0x75: {  	_ =	shalt  }
0x76: {  	_ =	shalt  }
0x77: {  	_ =	shalt  }
0x78: {  	_ =	shalt  }
0x79: {  	_ =	shalt  }
0x7a: {  	_ =	shalt  }
0x7b: {  	_ =	shalt  }
0x7c: {  	_ =	shalt  }
0x7d: {  	_ =	shalt  }
0x7e: {  	_ =	shalt  }
0x7f: {  	_ =	shalt  }
0x80: {  	_ =	shalt  }
0x81: {  	_ =	shalt  }
0x82: {  	_ =	shalt  }
0x83: {  	_ =	shalt  }
0x84: {  	_ =	shalt  }
0x85: {  	_ =	shalt  }
0x86: {  	_ =	shalt  }
0x87: {  	_ =	shalt  }
.Lfunc_end0:
.L_simem_size_0:
called_computation_lowered:
.L_overlay_start_0:
0x88: {  	s2 =	sld [smem:$0x3FD9]  }
0x89: {  	s3 =	sld [smem:$0x3FFE];
	_ =	sdelay $0x1  }
0x8a: {  	s1 =	srdreg.scid  }
0x8b: {  	s0 =	sand.u32 $0x1, s1  }
0x8c: {  	s16 =	sshll.u32 s0, $0xA;
	s2 =	sadd.s32 s3, s2  }
0x8d: {  	s2 =	sadd.s32 s2, s16  }
0x8e: {  	[smem:$0x3FC2] =	sst s2  }
0x8f: {  	_ = 	snop  }
0x90: {  	(tm) =	ssettm $0x1  }
0x91: {  	s17 =	sld [smem:$0x3FFB];
	_ =	sdelay $0x3  }
0x92: {  	_ =	strace s17  }
0x93: {  	s2 =	sld [smem:$0x3FFC];
	_ =	sdelay $0x3  }
0x94: {  	_ =	strace s2  }
0x95: {  	s2 =	sld [smem:$0x3FFD];
	_ =	sdelay $0x3  }
0x96: {  	_ =	strace s2  }
0x97: {  	_ =	strace $0x8FFFFFFF  }
0x98: {  	s18 =	sld [smem:$0x3FDB];
	_ =	sdelay $0x1  }
0x99: {  	s19 =	simm.s32 $_scs_section_size  }
0x9a: {  	s4 =	simm.s32 $_size__tile_overlayer_lowered;
	s5 =	simm.s32 $_tile_overlayer_lowered  }
0x9b: {  	s22 =	simm.s32 $0x1BFF;
	s21 =	sshll.u32 s5, $0x1;
	s2 =	sadd.s32 s19, s18  }
0x9c: {  	s6 =	simm.s32 $0x0;
	s20 =	sshll.u32 s4, $0x1;
	s4 =	sadd.s32 s21, s2  }
0x9d: {  	[timem:s6], [sflag:s22] =	dma.local [hbm:s4], s20  }
0x9e: {  	_ =	swait.ge [sflag:s22], s20  }
0x9f: {  	s3 =	ssub.s32 $0x0, s20;
	[sflag:s22] =	ssyncset.done $0x0  }
0xa0: {  	[sflag:s22] =	ssyncadd.s32 s3;
	_ =	sdelay $0x1  }
0xa1: {  	s23 =	simm.s32 $0x1B8B  }
0xa2: {  	_ =	swait.ge [sflag:s23], $0x1  }
0xa3: {  	[sflag:s23] =	ssyncset.done $0x0  }
0xa4: {  	s25 =	simm.s32 $0x1B8E;
	s24 =	sld [smem:$0x3FFE];
	[sflag:s23] =	ssyncadd.s32 $0xFFFFFFFF  }
0xa5: {  	s26 =	simm.s32 $execute0_lowered;
	[smem:$0x3FD2] =	sst s25  }
0xa6: {  	s4 =	sshll.u32 s26, $0x1;
	_ =	strace $0x80000046;
	[dreg:$0x1] =	wrdreg $0xFFFFFFFF  }
0xa7: {  	s28 =	simm.s32 $_size_execute0_lowered;
	s2 =	sadd.s32 s2, s4;
	[dreg:$0x0] =	wrdreg $0x0  }
0xa8: {  	s4 =	sshll.u32 s28, $0x1;
	[dreg:$0x2] =	wrdreg s2  }
0xa9: {  	[dreg:$0x3] =	wrdreg s4  }
0xaa: {  	[dreg:$0x4] =	wrdreg $0xC0  }
0xab: {  	_ =	task [dreg:s6], $0x5FFFF  }
0xac: {  	[dreg:$0x1] =	wrdreg $0xFFFFFFFF  }
0xad: {  	[dreg:$0x0] =	wrdreg $0x60  }
0xae: {  	[dreg:$0x2] =	wrdreg s24  }
0xaf: {  	[dreg:$0x3] =	wrdreg $0x41000  }
0xb0: {  	[dreg:$0x4] =	wrdreg $0x9  }
0xb1: {  	_ =	task.clear_ibuf [dreg:s6], $0x5FFFF;
	_ =	strace $0x90000046  }
0xb2: {  	s29 =	simm.s32 $0x9;
	_ =	strace $0x80000048  }
0xb3: {  	_ =	swait.ge [sflag:s29], $0x1  }
0xb4: {  	[sflag:s29] =	ssyncadd.s32 $0xFFFFFFFF  }
0xb5: {  	_ =	strace $0x90000048  }
0xb6: {  	_ =	sfence  }
0xb7: {  	s30 =	sld [smem:$0x0];
	_ =	sdelay $0x2  }
0xb8: {  	s31 =	sshll.u32 s1, $0xD;
	s1 =	sshrl.u32 s1, $0x2  }
0xb9: {  	s3 =	sand.u32 $0x4000, s31;
	s1 =	sadd.s32 s1, s30  }
0xba: {  	s0 =	sor.u32 s3, s0;
	s1 =	sshll.u32 s1, $0x11  }
0xbb: {  	s0 =	sor.u32 s1, s0  }
0xbc: {  	s0 =	sadd.s32 $0x8F2B, s0  }
0xbd: {  	[sflag:s0] =	ssyncadd.remote.s32 $0x1  }
0xbe: {  	_ =	sfence.sel $0xFFFF  }
0xbf: {  	[dreg:$0x0] =	wrdreg $0xFFFFFFFF;
	(pc) =	sbr.abs _section_cstart, $3  }
0xc0: {  	[dreg:$0x1] =	wrdreg $0xFFFFFFFF  }
0xc1: {  	_ =	task.clear_ibuf [dreg:s6], $0x2FFFF;
	_ =	strace $0x9FFFFFFF  }
0xc2: {  	(tm) =	ssettm $0x7FFFFFFF  }
0xc3: {  	_ =	shalt  }
tec
execute0_lowered:
.L_overlay_start_1:
0x0: {  	(tag) =	ssettag $0x1  }
0x1: {  	s4 =	rddreg [dreg:$0x0]  }
0x2: {  	s2 =	rddreg [dreg:$0x1]  }
0x3: {  	s0 =	rddreg [dreg:$0x2];
	s5 =	srdreg.scid  }
0x4: {  	s1 =	stileid.u32;
	s3 =	simm.s32 $0x0;
	s17 =	simm.s32 $0x4080  }
0x5: {  	s18 =	simm.s32 $0x1;
	s19 =	simm.s32 $0x80;
	s24 =	smul.u32 $0x2800, s1  }
0x6: {  	s20 =	simm.s32 $0x2;
	s21 =	simm.s32 $0x0;
	s26 =	smul.u32 $0x50000, s1  }
0x7: {  	s8 =	sand.u32 $0x1, s5;
	[smem:$0x7FF] =	sst s3;
	s11 =	smul.u32 $0x9C, s1  }
0x8: {  	s14 =	sadd.s32 $0x2400, s4;
	s7 =	sshll.u32 s1, $0x1;
	s6 =	smul.u32 $0x28000, s8  }
0x9: {  	p0 =	sgt.u32 s1, $0x1;
	s25 =	sor.u32 s8, s7;
	s15 =	smul.u32 $0x4E, s8  }
0xa: {  	_ =	strace $0x80000047;
	s28 =	ssub.s32 $0x2, s8;
	s29 =	smul.u32 $0x4E, s25  }
0xb: {  	s9 =	sshrl.u32 s28, $0x1;
	s10 =	smin.u32 s25, $0x4;
	s30 =	sshrl.u32 s26, $0x2  }
0xc: {  	s5 =	sadd.s32 s24, s6;
	s13 =	ssub.s32 s28, s9;
	s16 =	sadd.s32 s11, s10  }
0xd: {  	s12 =	sadd.s32 s5, s4;
	s31 =	sadd.s32 s10, s29;
	s4 =	sadd.s32 s30, s2  }
0xe: {  	s15 =	sadd.s32 s15, s16;
	s13 =	smax.u32 s13, $0x1;
	s16 =	simm.s32 $0x4000  }
0xf: {  	s5 =	sadd.s32 $0x4000, s4;
	s6 =	sadd.s32 $0x8000, s4;
	s7 =	sadd.s32 $0xC000, s4  }
0x10: {  	s9 =	sshll.u32 s31, $0x4;
	s8 =	sadd.s32 $0x10000, s4;
	s15 =	sshll.u32 s15, $0x4  }
0x11: {  	s12 =	sadd.s32 $0xC200, s12;
	s9 =	sadd.s32 s14, s9;
	s14 =	sadd.s32 s15, s14  }
0x12: {  	v0 =	vimm.f32 $0.0e+00;
	v1 =	vimm.f32 $1.000000000e+00;
	s15 =	simm.s32 $0x3;
	s10 =	sadd.s32 $0x10, s9;
	s11 =	sadd.s32 $0x4E0, s9  }
.LBB2_1:
0x13: {  	s22 =	simm.s32 $0x0;
	s23 =	simm.s32 $0x200  }
.LBB2_2:
0x14: {  	p1 =	sne.s32 s23, $0xFE00;
	[tilespmem:s22+$0x70] =	vst v0  }
0x15: {  	[tilespmem:s22+$0x0] =	vst v0  }
0x16: {  	[tilespmem:s22+$0x10] =	vst v0  }
.Ltmp0:
0x17: {  	[tilespmem:s22+$0x20] =	vst v0;
	(pc) =	sbr.rel @p1 .LBB2_2-.Ltmp0, $4  }
0x18: {  	[tilespmem:s22+$0x30] =	vst v0  }
0x19: {  	[tilespmem:s22+$0x40] =	vst v0  }
0x1a: {  	[tilespmem:s22+$0x50] =	vst v0  }
0x1b: {  	[tilespmem:s22+$0x60] =	vst v0;
	s22 =	sshra.s32 s23, $0x2;
	s23 =	sadd.s32 $0x200, s23  }
0x1c: {  	[tilespmem:s22+$0x70] =	vst v0  }
0x1d: {  	[tilespmem:s22+$0x0] =	vst v0  }
0x1e: {  	[tilespmem:s22+$0x10] =	vst v0  }
0x1f: {  	[tilespmem:s22+$0x20] =	vst v0  }
0x20: {  	[tilespmem:s22+$0x30] =	vst v0  }
0x21: {  	[tilespmem:s22+$0x40] =	vst v0  }
0x22: {  	[tilespmem:s22+$0x50] =	vst v0  }
0x23: {  	[tilespmem:s22+$0x60] =	vst v0;
	s31 =	simm.s32 $0x0  }
0x24: {  	[spmem:s4] =	stream.linear.scatter [tilespmem:s31], [sflag:$0x3], $0x4000, $0x38;
	[tilespmem:$0x18100] =	vst v63  }
0x25: {  	_ =	swait.ge [sflag:s15], $0x4000  }
0x26: {  	[sflag:s15] =	ssyncset.done $0x0  }
0x27: {  	[sflag:s15] =	ssyncadd.s32 $0xFFFFC000  }
0x28: {  	[spmem:s5] =	stream.linear.scatter [tilespmem:s31], [sflag:$0x3], $0x4000, $0x38;
	[tilespmem:$0x18100] =	vst v63  }
0x29: {  	_ =	swait.ge [sflag:s15], $0x4000  }
0x2a: {  	[sflag:s15] =	ssyncset.done $0x0  }
0x2b: {  	[sflag:s15] =	ssyncadd.s32 $0xFFFFC000  }
0x2c: {  	[spmem:s6] =	stream.linear.scatter [tilespmem:s31], [sflag:$0x3], $0x4000, $0x38;
	[tilespmem:$0x18100] =	vst v63  }
0x2d: {  	_ =	swait.ge [sflag:s15], $0x4000  }
0x2e: {  	[sflag:s15] =	ssyncset.done $0x0  }
0x2f: {  	[sflag:s15] =	ssyncadd.s32 $0xFFFFC000  }
0x30: {  	[spmem:s7] =	stream.linear.scatter [tilespmem:s31], [sflag:$0x3], $0x4000, $0x38;
	[tilespmem:$0x18100] =	vst v63  }
0x31: {  	_ =	swait.ge [sflag:s15], $0x4000  }
0x32: {  	[sflag:s15] =	ssyncset.done $0x0  }
0x33: {  	[sflag:s15] =	ssyncadd.s32 $0xFFFFC000  }
0x34: {  	[spmem:s8] =	stream.linear.scatter [tilespmem:s31], [sflag:$0x3], $0x4000, $0x38;
	[tilespmem:$0x18100] =	vst v63  }
0x35: {  	_ =	swait.ge [sflag:s15], $0x4000  }
0x36: {  	[sflag:s15] =	ssyncset.done $0x0  }
0x37: {  	s22 =	simm.s32 $0x0;
	s23 =	simm.s32 $0x200;
	[sflag:s15] =	ssyncadd.s32 $0xFFFFC000  }
.LBB2_4:
0x38: {  	p1 =	sne.s32 s23, $0xFE00;
	[tilespmem:s22+$0x70] =	vst v1  }
0x39: {  	[tilespmem:s22+$0x0] =	vst v1  }
0x3a: {  	[tilespmem:s22+$0x10] =	vst v1  }
.Ltmp1:
0x3b: {  	[tilespmem:s22+$0x20] =	vst v1;
	(pc) =	sbr.rel @p1 .LBB2_4-.Ltmp1, $4  }
0x3c: {  	[tilespmem:s22+$0x30] =	vst v1  }
0x3d: {  	[tilespmem:s22+$0x40] =	vst v1  }
0x3e: {  	[tilespmem:s22+$0x50] =	vst v1  }
0x3f: {  	[tilespmem:s22+$0x60] =	vst v1;
	s22 =	sshra.s32 s23, $0x2;
	s23 =	sadd.s32 $0x200, s23  }
0x40: {  	[tilespmem:s22+$0x70] =	vst v1  }
0x41: {  	[tilespmem:s22+$0x0] =	vst v1  }
0x42: {  	[tilespmem:s22+$0x10] =	vst v1  }
0x43: {  	[tilespmem:s22+$0x20] =	vst v1  }
0x44: {  	[tilespmem:s22+$0x30] =	vst v1  }
0x45: {  	[tilespmem:s22+$0x40] =	vst v1  }
0x46: {  	[tilespmem:s22+$0x50] =	vst v1  }
0x47: {  	[tilespmem:s22+$0x60] =	vst v1  }
0x48: {  	[bflag:$0x0] =	sbarrier.arrive $0xFFFF  }
0x49: {  	[tilespmem:s16], [sflag:$0x1] =	stream.linear.gather [hbm4b:s9+s3], $0x80, $0x38;
	[tilespmem:$0x18100] =	vst v63  }
0x4a: {  	_ = 	snop  }
0x4b: {  	[tilespmem:s17], [sflag:$0x2] =	stream.linear.gather [hbm4b:s10+s3], $0x80, $0x38;
	[tilespmem:$0x18100] =	vst v63  }
0x4c: {  	_ =	swait.ge [sflag:s18], $0x80  }
0x4d: {  	[sflag:s18] =	ssyncset.done $0x0  }
0x4e: {  	[sflag:s18] =	ssyncadd.s32 $0xFFFFFF80  }
0x4f: {  	[spmem:s2] =	stream.indirect.scatter.add.f32 [tilespmem:s3], [sflag:$0x3], $0x80, s16, s19, $0xb8;
	[tilespmem:$0x18100] =	vst v63  }
0x50: {  	_ =	swait.ge [sflag:s15], $0x4000  }
0x51: {  	s23 =	sadd.s32 $0xFFFFFB40, s14;
	[sflag:s15] =	ssyncset.done $0x0  }
0x52: {  	s31 =	sadd.s32 $0x4E0, s23;
	[sflag:s15] =	ssyncadd.s32 $0xFFFFC000  }
0x53: {  	[tilespmem:s16], [sflag:$0x1] =	stream.linear.gather [hbm4b:s31+s3], $0x80, $0x38;
	[tilespmem:$0x18100] =	vst v63  }
0x54: {  	_ =	swait.ge [sflag:s20], $0x80  }
0x55: {  	[sflag:s20] =	ssyncset.done $0x0  }
0x56: {  	[sflag:s20] =	ssyncadd.s32 $0xFFFFFF80  }
0x57: {  	[spmem:s2] =	stream.indirect.scatter.add.f32 [tilespmem:s3], [sflag:$0x3], $0x80, s17, s19, $0xb8;
	[tilespmem:$0x18100] =	vst v63  }
0x58: {  	_ =	swait.ge [sflag:s15], $0x4000  }
0x59: {  	[sflag:s15] =	ssyncset.done $0x0  }
0x5a: {  	s22 =	simm.s32 $0xFFFFFB60;
	s23 =	sadd.s32 $0x4F0, s23;
	[sflag:s15] =	ssyncadd.s32 $0xFFFFC000  }
.LBB2_6:
0x5b: {  	[tilespmem:s17], [sflag:$0x2] =	stream.linear.gather [hbm4b:s23+s3], $0x80, $0x38;
	[tilespmem:$0x18100] =	vst v63  }
0x5c: {  	s23 =	smov.u32 s22  }
0x5d: {  	p1 =	sne.s32 s22, $0xFFFFFFE0;
	s22 =	sadd.s32 $0x20, s22;
	_ =	swait.ge [sflag:s18], $0x80  }
0x5e: {  	[sflag:s18] =	ssyncset.done $0x0  }
0x5f: {  	[sflag:s18] =	ssyncadd.s32 $0xFFFFFF80  }
0x60: {  	[spmem:s2] =	stream.indirect.scatter.add.f32 [tilespmem:s3], [sflag:$0x3], $0x80, s16, s19, $0xb8;
	[tilespmem:$0x18100] =	vst v63  }
0x61: {  	_ =	swait.ge [sflag:s15], $0x4000  }
0x62: {  	s23 =	sadd.s32 s23, s14;
	[sflag:s15] =	ssyncset.done $0x0  }
0x63: {  	s24 =	sadd.s32 $0x4E0, s23;
	[sflag:s15] =	ssyncadd.s32 $0xFFFFC000  }
0x64: {  	[tilespmem:s16], [sflag:$0x1] =	stream.linear.gather [hbm4b:s24+s3], $0x80, $0x38;
	[tilespmem:$0x18100] =	vst v63  }
0x65: {  	_ =	swait.ge [sflag:s20], $0x80  }
0x66: {  	[sflag:s20] =	ssyncset.done $0x0  }
.Ltmp2:
0x67: {  	[sflag:s20] =	ssyncadd.s32 $0xFFFFFF80;
	(pc) =	sbr.rel @p1 .LBB2_6-.Ltmp2, $4  }
0x68: {  	[spmem:s2] =	stream.indirect.scatter.add.f32 [tilespmem:s3], [sflag:$0x3], $0x80, s17, s19, $0xb8;
	[tilespmem:$0x18100] =	vst v63  }
0x69: {  	_ =	swait.ge [sflag:s15], $0x4000  }
0x6a: {  	[sflag:s15] =	ssyncset.done $0x0  }
0x6b: {  	s23 =	sadd.s32 $0x4F0, s23;
	[sflag:s15] =	ssyncadd.s32 $0xFFFFC000  }
0x6c: {  	[tilespmem:s17], [sflag:$0x2] =	stream.linear.gather [hbm4b:s23+s3], $0x80, $0x38;
	[tilespmem:$0x18100] =	vst v63  }
0x6d: {  	_ =	swait.ge [sflag:s18], $0x80  }
0x6e: {  	[sflag:s18] =	ssyncset.done $0x0  }
0x6f: {  	[sflag:s18] =	ssyncadd.s32 $0xFFFFFF80  }
0x70: {  	[spmem:s2] =	stream.indirect.scatter.add.f32 [tilespmem:s3], [sflag:$0x3], $0x80, s16, s19, $0xb8;
	[tilespmem:$0x18100] =	vst v63  }
0x71: {  	_ =	swait.ge [sflag:s15], $0x4000  }
0x72: {  	[sflag:s15] =	ssyncset.done $0x0  }
0x73: {  	[sflag:s15] =	ssyncadd.s32 $0xFFFFC000  }
0x74: {  	_ =	swait.ge [sflag:s20], $0x80  }
0x75: {  	[sflag:s20] =	ssyncset.done $0x0  }
0x76: {  	[sflag:s20] =	ssyncadd.s32 $0xFFFFFF80  }
0x77: {  	[spmem:s2] =	stream.indirect.scatter.add.f32 [tilespmem:s3], [sflag:$0x3], $0x80, s17, s19, $0xb8;
	[tilespmem:$0x18100] =	vst v63  }
0x78: {  	_ =	swait.ge [sflag:s15], $0x4000  }
0x79: {  	s22 =	simm.s32 @!p0 $0x0;
	[sflag:s15] =	ssyncset.done $0x0  }
0x7a: {  	s23 =	simm.s32 @!p0 $0x4000;
	s24 =	simm.s32 @!p0 $0x3;
	[sflag:s15] =	ssyncadd.s32 $0xFFFFC000  }
0x7b: {  	[tilespmem:s23], [sflag:$0x3] =	stream.linear.gather @!p0 [hbm4b:s11+s22], $0x80, $0x38;
	[tilespmem:$0x18100] =	vst v63  }
0x7c: {  	_ =	swait.ge @!p0 [sflag:s24], $0x80  }
0x7d: {  	[sflag:s24] =	ssyncset.done @!p0 $0x0  }
0x7e: {  	s25 =	simm.s32 @!p0 $0x80;
	[sflag:s24] =	ssyncadd.s32 @!p0 $0xFFFFFF80  }
0x7f: {  	[spmem:s2] =	stream.indirect.scatter.add.f32 @!p0 [tilespmem:s22], [sflag:$0x3], $0x80, s23, s25, $0xb8;
	[tilespmem:$0x18100] =	vst v63  }
0x80: {  	_ =	swait.ge @!p0 [sflag:s24], $0x4000  }
0x81: {  	s30 =	sshll.u32 s1, $0x6;
	s21 =	sadd.s32 $0x1, s21;
	[sflag:s24] =	ssyncset.done @!p0 $0x0  }
0x82: {  	s31 =	sshrl.u32 s4, $0x3;
	p1 =	sne.s32 s21, s13;
	[sflag:s24] =	ssyncadd.s32 @!p0 $0xFFFFC000  }
.Ltmp3:
0x83: {  	s22 =	sor.u32 $0x1C03, s30;
	[bflag:$0x0] =	sbarrier.arrive $0xFFFF;
	(pc) =	sbr.rel @p1 .LBB2_1-.Ltmp3, $4  }
0x84: {  	[hbm:s12], [sflag:s22] =	dma.local [spmem:s31], $0x2800  }
0x85: {  	_ =	swait.ge [sflag:s15], $0x2800  }
0x86: {  	[sflag:s15] =	ssyncset.done $0x0  }
0x87: {  	[sflag:s15] =	ssyncadd.s32 $0xFFFFD800  }
0x88: {  	_ =	sfence.sel $0x180000  }
0x89: {  	[bflag:$0x0] =	sbarrier.arrive $0xFFFF  }
0x8a: {  	p0 =	sne.s32 s1, $0x0;
	_ =	strace $0x90000047  }
0x8b: {  	s0 =	sadd.s32 @!p0 $0x100000, s0;
	[bflag:$0x2] =	sbarrier.arrive $0xFFFF  }
0x8c: {  	[sflag:s0] =	ssyncadd.tile.s32 @!p0 $0x1;
	_ =	shalt  }
.Lfunc_end2:
_tile_overlayer_lowered:
.L_overlay_start_2:
0x8d: {  	(tag) =	ssettag $0x2  }
0x8e: {  	s0 =	rddreg [dreg:$0x0];
	s2 =	stileid.u32  }
0x8f: {  	s1 =	rddreg [dreg:$0x1];
	p0 =	sne.s32 s2, $0x0  }
0x90: {  	s3 =	rddreg [dreg:$0x2];
	[bflag:$0x3] =	sbarrier.arrive $0xFFFF;
	s2 =	simm.s32 @!p0 $0x1C03  }
0x91: {  	[timem:s3], [sflag:s2] =	dma.local @!p0 [hbm:s0], s1  }
0x92: {  	s0 =	simm.s32 @!p0 $0x3  }
0x93: {  	_ =	swait.ge @!p0 [sflag:s0], s1  }
0x94: {  	s1 =	ssub.s32 @!p0 $0x0, s1;
	[sflag:s0] =	ssyncset.done @!p0 $0x0  }
0x95: {  	[sflag:s0] =	ssyncadd.s32 @!p0 s1  }
0x96: {  	[bflag:$0x3] =	sbarrier.arrive $0xFFFF  }
0x97: {  	_ =	shalt  }

</sc_bundles>
